<compile_context>
chip_gen: v7x
topology: tpu7x:2x2x1
jax: 0.10.2.dev20260603
libtpu: 0.0.44.dev20260713+nightly
codegen_flags: <defaults>
</compile_context>

<pallas_src>
import functools
import jax
import jax.numpy as jnp
from jax import lax
from jax.experimental import pallas as pl
from jax.experimental.pallas import tpu as pltpu
import jax.experimental.pallas.tpu_sc as plsc

NW = 32
PER_W = 32768
N_PAD = NW * PER_W
CHUNK = 2048
NCH = PER_W // CHUNK
UNR = 4
VPC = CHUNK // (16 * UNR)
HA_ROWS = 128
HA_B = HA_ROWS * 128
EPS = 1e-12
F32 = jnp.float32


def _sc_hist(t2_p, lr_p):
  mesh = plsc.VectorSubcoreMesh(core_axis_name="c", subcore_axis_name="s")
  out_t = (
      jax.ShapeDtypeStruct((NW, HA_B), F32),
      jax.ShapeDtypeStruct((NW, 16), F32),
  )

  @functools.partial(
      pl.kernel,
      mesh=mesh,
      out_type=out_t,
      scratch_types=[
          pltpu.VMEM((2, CHUNK), jnp.int32),
          pltpu.VMEM((2, CHUNK), F32),
          pltpu.VMEM((HA_B,), F32),
          pltpu.VMEM((16,), F32),
          pltpu.SemaphoreType.DMA,
          pltpu.SemaphoreType.DMA,
      ],
      compiler_params=pltpu.CompilerParams(needs_layout_passes=False),
  )
  def k(t_hbm, x_hbm, oa, osl, tb, xb, ha, sb, s0, s1):
    wid = lax.axis_index("s") * 2 + lax.axis_index("c")
    base = wid * PER_W
    sems = (s0, s1)

    zero = jnp.zeros((16,), F32)

    def zbody(i, _):
      for u in range(8):
        ha[pl.ds((i * 8 + u) * 16, 16)] = zero
      return 0

    lax.fori_loop(0, 4096 // 128, zbody, 0)

    def zbody2(i, _):
      for u in range(8):
        ha[pl.ds(8192 + (i * 8 + u) * 16, 16)] = zero
      return 0

    lax.fori_loop(0, 8192 // 128, zbody2, 0)

    def start(ci, b):
      off = base + ci * CHUNK
      pltpu.async_copy(t_hbm.at[pl.ds(off, CHUNK)], tb.at[b], sems[b])
      pltpu.async_copy(x_hbm.at[pl.ds(off, CHUNK)], xb.at[b], sems[b])

    def wait(b):
      pltpu.make_async_copy(t_hbm.at[pl.ds(base, CHUNK)], tb.at[b], sems[b]).wait()
      pltpu.make_async_copy(x_hbm.at[pl.ds(base, CHUNK)], xb.at[b], sems[b]).wait()

    ones = jnp.full((16,), 1.0, F32)

    def process(b, slr0):
      def vbody(i, slr):
        base_l = i * (16 * UNR)
        for u in range(UNR):
          sl = pl.ds(base_l + u * 16, 16)
          t2 = tb[b, sl]
          x = xb[b, sl]
          rk = jnp.exp(x)
          em = t2 >= 8192
          plsc.addupdate_scatter(ha, [t2], rk)
          plsc.addupdate_scatter(ha, [t2 + 4096], ones, mask=em)
          slr = slr + jnp.where(em, x, 0.0)
        return slr

      return lax.fori_loop(0, VPC, vbody, slr0)

    start(0, 0)
    start(1, 1)

    def obody(i, slr):
      ci = i * 2
      for b in range(2):
        wait(b)
        slr = process(b, slr)
        start(ci + b + 2, b)
      return slr

    slr = lax.fori_loop(0, (NCH - 2) // 2, obody, zero)
    for b in range(2):
      wait(b)
      slr = process(b, slr)

    sb[...] = slr
    pltpu.sync_copy(ha, oa.at[wid])
    pltpu.sync_copy(sb, osl.at[wid])

  return k(t2_p, lr_p)


def _tc_finish(ap, sp):

  def body(a_ref, s_ref, o_ref):
    a2 = jnp.sum(a_ref[...], axis=0)
    d2 = a2[96:128, :]
    slr_total = jnp.sum(s_ref[...])
    ers = a2[64:96, :]
    srk = a2[0:32, :] + ers

    ii = lax.broadcasted_iota(jnp.int32, (128, 128), 0)
    jj = lax.broadcasted_iota(jnp.int32, (128, 128), 1)
    upper = (ii <= jj).astype(F32)
    row_incl = lax.dot_general(
        srk, upper, (((1,), (0,)), ((), ())),
        preferred_element_type=F32, precision=lax.Precision.HIGHEST)
    row_tot = row_incl[:, 127:128]
    i3 = lax.broadcasted_iota(jnp.int32, (32, 32), 0)
    j3 = lax.broadcasted_iota(jnp.int32, (32, 32), 1)
    strict = (i3 < j3).astype(F32)
    row_off = lax.dot_general(
        strict, row_tot, (((0,), (0,)), ((), ())),
        preferred_element_type=F32, precision=lax.Precision.HIGHEST)
    prefix_incl = row_incl + row_off
    total = jnp.sum(srk)
    rss = total - prefix_incl + srk

    singles = jnp.sum(jnp.where(d2 == 1.0, jnp.log(rss + EPS), 0.0))

    inv_d = 1.0 / jnp.maximum(d2, 1.0)
    multi_m = d2 >= 2.0
    dmax = jnp.max(d2)
    UN = 8
    n_it = jnp.ceil(dmax / UN).astype(jnp.int32)

    def lbody(i, acc):
      for k in range(UN):
        l = (i * UN + k).astype(F32)
        arg = rss - (l * inv_d) * ers
        val = jnp.log(jnp.maximum(arg, EPS))
        acc = acc + jnp.sum(jnp.where(multi_m & (l < d2), val, 0.0))
      return acc

    multi = lax.fori_loop(0, n_it, lbody, jnp.float32(0.0))

    num_ev = jnp.maximum(jnp.sum(d2), 1.0)
    loss = (singles + multi - slr_total) / num_ev
    o_ref[...] = jnp.full((8, 128), loss, F32)

  return pl.pallas_call(
      body,
      out_shape=jax.ShapeDtypeStruct((8, 128), F32),
  )(ap, sp)


def kernel(times, events, log_risk):
  t = times.reshape(-1).astype(jnp.int32)
  e = events.reshape(-1).astype(jnp.int32)
  x = log_risk.reshape(-1).astype(F32)
  t2 = t | (jnp.where(e > 0, 8192, 0).astype(jnp.int32))
  pad = N_PAD - t.shape[0]
  pad_bins = 4096 + (jnp.arange(pad, dtype=jnp.int32) & 4095)
  t2 = jnp.concatenate([t2, pad_bins])
  x = jnp.concatenate([x, jnp.zeros((pad,), F32)])
  oa, osl = _sc_hist(t2, x)
  out = _tc_finish(oa.reshape(NW, HA_ROWS, 128), osl)
  return out[0, 0]

# --- scband reference (transcript-rebuilt; emitter-appended) ---
"""Pipeline reference for scband-efron-loss-penalty-74380243632284 (READ-ONLY COPY).

The authoritative reference and input builder live on the scoring server;
editing this copy changes nothing except your own understanding.
"""

import jax, jax.numpy as jnp
import numpy as np

N = 1000000
T_MAX = 4096
PENALTY = 0.0
EPS = 1e-12


def setup_inputs(seed: int = 0) -> dict:
    key = jax.random.key(seed)
    k1, k2, k3 = jax.random.split(key, 3)
    times = jax.random.randint(k1, (N,), 0, T_MAX)
    events = jax.random.randint(k2, (N,), 0, 2)
    log_risk = jax.random.normal(k3, (N,), dtype=jnp.float32)
    return {"times": times, "events": events, "log_risk": log_risk}


def _efron_loss(times, events, log_risk):
    lr = log_risk.reshape(-1)
    tf = times.reshape(-1).astype(lr.dtype)
    ev = events.reshape(-1).astype(lr.dtype)
    n = lr.shape[0]
    # sort descending by time (tie order irrelevant: loss is symmetric within blocks)
    order = jnp.argsort(-tf)
    lr = lr[order]
    tf = tf[order]
    ev = ev[order]
    risk = jnp.exp(lr)
    # consecutive-unique tie blocks -> segment ids
    new_block = jnp.concatenate([jnp.ones((1,), dtype=bool), tf[1:] != tf[:-1]])
    seg = jnp.cumsum(new_block.astype(jnp.int32)) - 1
    e_mask = ev > 0.5
    e_f = e_mask.astype(lr.dtype)
    d_seg = jax.ops.segment_sum(e_f, seg, num_segments=n)
    sum_lr_ev = jax.ops.segment_sum(lr * e_f, seg, num_segments=n)
    ev_risk_sum = jax.ops.segment_sum(risk * e_f, seg, num_segments=n)
    seg_risk = jax.ops.segment_sum(risk, seg, num_segments=n)
    # cum_risk at the last index of each block == cumulative sum over blocks
    risk_set_sum = jnp.cumsum(seg_risk)
    abs_sum = jax.ops.segment_sum(jnp.abs(lr), seg, num_segments=n)
    # per-event rank l within its tie block (0-based among events)
    c = jnp.cumsum(e_f)
    d_cum = jnp.cumsum(d_seg)
    ev_before = jnp.concatenate([jnp.zeros((1,), lr.dtype), d_cum[:-1]])
    l_i = c - 1.0 - ev_before[seg]
    d_i = d_seg[seg]
    rss_i = risk_set_sum[seg]
    ers_i = ev_risk_sum[seg]
    # d == 1: log(risk_set_sum + eps); d > 1: sum_l log(clamp(rss - l/d * ers, eps))
    denom_single = jnp.log(rss_i + EPS)
    denom_multi = jnp.log(jnp.maximum(rss_i - (l_i / jnp.maximum(d_i, 1.0)) * ers_i, EPS))
    denom_i = jnp.where(d_i == 1.0, denom_single, denom_multi)
    denom_total = jnp.sum(jnp.where(e_mask, denom_i, jnp.zeros_like(denom_i)))
    total = denom_total - jnp.sum(sum_lr_ev)
    if PENALTY > 0.0:
        has_event = d_seg > 0.0
        total = total + PENALTY * jnp.sum(jnp.where(has_event, abs_sum, jnp.zeros_like(abs_sum)))
    num_events = jnp.maximum(jnp.sum(ev), 1.0)
    return total / num_events


def reference(times, events, log_risk):
    return _efron_loss(times, events, log_risk)

if __name__ == "__main__":
    import jax
    _d = setup_inputs()
    print(jax.jit(kernel)(*tuple(_d.values())))

</pallas_src>

<mosaic_0001>
#map = affine_map<(d0, d1) -> (0)>
#map1 = affine_map<(d0, d1) -> (0, 0)>
module attributes {stable_mosaic.version = 14 : i64} {
  func.func @k(%arg0: i32, %arg1: i32, %arg2: memref<1048576xi32, #tpu.memory_space<hbm>>, %arg3: memref<1048576xf32, #tpu.memory_space<hbm>>, %arg4: memref<32x16384xf32, #tpu.memory_space<hbm>>, %arg5: memref<32x16xf32, #tpu.memory_space<hbm>>, %arg6: memref<2x2048xi32, #tpu.memory_space<vmem>>, %arg7: memref<2x2048xf32, #tpu.memory_space<vmem>>, %arg8: memref<16384xf32, #tpu.memory_space<vmem>>, %arg9: memref<16xf32, #tpu.memory_space<vmem>>, %arg10: memref<!tpu.dma_semaphore, #tpu.memory_space<semaphore_mem>>, %arg11: memref<!tpu.dma_semaphore, #tpu.memory_space<semaphore_mem>>) attributes {dimension_semantics = [#tpu.dimension_semantics<core_parallel>, #tpu.dimension_semantics<subcore_parallel>], iteration_bounds = array<i64: 2, 16>, scalar_prefetch = 0 : i64, scratch_operands = 6 : i64, tpu.core_type = #tpu.core_type<sc_vector_subcore>, window_params = [{transform_indices = #map}, {transform_indices = #map}, {transform_indices = #map1}, {transform_indices = #map1}]} {
    %mul3A = arith.constant 2 : i32
    %mul3A_0 = arith.muli %arg1, %mul3A : i32
    %add3A = arith.addi %mul3A_0, %arg0 : i32
    %mul3A_1 = arith.constant 32768 : i32
    %mul3A_2 = arith.muli %add3A, %mul3A_1 : i32
    %broadcast_in_dim3A = arith.constant 0.000000e+00 : f32
    %broadcast_in_dim3A_3 = vector.broadcast %broadcast_in_dim3A : f32 to vector<16xf32>
    %scan3A = arith.constant 0 : i32
    %scan3A_4 = arith.constant 0 : i32
    %scan3A_5 = arith.constant 32 : i32
    %scan3A_6 = arith.addi %scan3A_4, %scan3A_5 : i32
    %scan3A_7 = arith.constant 1 : i32
    %scan3A_8 = scf.for %scan3A_112 = %scan3A_4 to %scan3A_6 step %scan3A_7 iter_args(%scan3A_113 = %scan3A) -> (i32)  : i32 {
      %mul3A_114 = arith.constant 8 : i32
      %mul3A_115 = arith.muli %scan3A_112, %mul3A_114 : i32
      %add3A_116 = arith.constant 0 : i32
      %add3A_117 = arith.addi %mul3A_115, %add3A_116 : i32
      %mul3A_118 = arith.constant 16 : i32
      %mul3A_119 = arith.muli %add3A_117, %mul3A_118 : i32
      %swap3A_120 = arith.index_cast %mul3A_119 : i32 to index
      %swap3A_121 = tpu.vector_load %arg8[%swap3A_120] {strides = array<i32>} : memref<16384xf32, #tpu.memory_space<vmem>>, vector<16xf32>,
      tpu.vector_store %arg8[%swap3A_120], %broadcast_in_dim3A_3 {strides = array<i32>} : memref<16384xf32, #tpu.memory_space<vmem>>, vector<16xf32>,
      %mul3A_122 = arith.constant 8 : i32
      %mul3A_123 = arith.muli %scan3A_112, %mul3A_122 : i32
      %add3A_124 = arith.constant 1 : i32
      %add3A_125 = arith.addi %mul3A_123, %add3A_124 : i32
      %mul3A_126 = arith.constant 16 : i32
      %mul3A_127 = arith.muli %add3A_125, %mul3A_126 : i32
      %swap3A_128 = arith.index_cast %mul3A_127 : i32 to index
      %swap3A_129 = tpu.vector_load %arg8[%swap3A_128] {strides = array<i32>} : memref<16384xf32, #tpu.memory_space<vmem>>, vector<16xf32>,
      tpu.vector_store %arg8[%swap3A_128], %broadcast_in_dim3A_3 {strides = array<i32>} : memref<16384xf32, #tpu.memory_space<vmem>>, vector<16xf32>,
      %mul3A_130 = arith.constant 8 : i32
      %mul3A_131 = arith.muli %scan3A_112, %mul3A_130 : i32
      %add3A_132 = arith.constant 2 : i32
      %add3A_133 = arith.addi %mul3A_131, %add3A_132 : i32
      %mul3A_134 = arith.constant 16 : i32
      %mul3A_135 = arith.muli %add3A_133, %mul3A_134 : i32
      %swap3A_136 = arith.index_cast %mul3A_135 : i32 to index
      %swap3A_137 = tpu.vector_load %arg8[%swap3A_136] {strides = array<i32>} : memref<16384xf32, #tpu.memory_space<vmem>>, vector<16xf32>,
      tpu.vector_store %arg8[%swap3A_136], %broadcast_in_dim3A_3 {strides = array<i32>} : memref<16384xf32, #tpu.memory_space<vmem>>, vector<16xf32>,
      %mul3A_138 = arith.constant 8 : i32
      %mul3A_139 = arith.muli %scan3A_112, %mul3A_138 : i32
      %add3A_140 = arith.constant 3 : i32
      %add3A_141 = arith.addi %mul3A_139, %add3A_140 : i32
      %mul3A_142 = arith.constant 16 : i32
      %mul3A_143 = arith.muli %add3A_141, %mul3A_142 : i32
      %swap3A_144 = arith.index_cast %mul3A_143 : i32 to index
      %swap3A_145 = tpu.vector_load %arg8[%swap3A_144] {strides = array<i32>} : memref<16384xf32, #tpu.memory_space<vmem>>, vector<16xf32>,
      tpu.vector_store %arg8[%swap3A_144], %broadcast_in_dim3A_3 {strides = array<i32>} : memref<16384xf32, #tpu.memory_space<vmem>>, vector<16xf32>,
      %mul3A_146 = arith.constant 8 : i32
      %mul3A_147 = arith.muli %scan3A_112, %mul3A_146 : i32
      %add3A_148 = arith.constant 4 : i32
      %add3A_149 = arith.addi %mul3A_147, %add3A_148 : i32
      %mul3A_150 = arith.constant 16 : i32
      %mul3A_151 = arith.muli %add3A_149, %mul3A_150 : i32
      %swap3A_152 = arith.index_cast %mul3A_151 : i32 to index
      %swap3A_153 = tpu.vector_load %arg8[%swap3A_152] {strides = array<i32>} : memref<16384xf32, #tpu.memory_space<vmem>>, vector<16xf32>,
      tpu.vector_store %arg8[%swap3A_152], %broadcast_in_dim3A_3 {strides = array<i32>} : memref<16384xf32, #tpu.memory_space<vmem>>, vector<16xf32>,
      %mul3A_154 = arith.constant 8 : i32
      %mul3A_155 = arith.muli %scan3A_112, %mul3A_154 : i32
      %add3A_156 = arith.constant 5 : i32
      %add3A_157 = arith.addi %mul3A_155, %add3A_156 : i32
      %mul3A_158 = arith.constant 16 : i32
      %mul3A_159 = arith.muli %add3A_157, %mul3A_158 : i32
      %swap3A_160 = arith.index_cast %mul3A_159 : i32 to index
      %swap3A_161 = tpu.vector_load %arg8[%swap3A_160] {strides = array<i32>} : memref<16384xf32, #tpu.memory_space<vmem>>, vector<16xf32>,
      tpu.vector_store %arg8[%swap3A_160], %broadcast_in_dim3A_3 {strides = array<i32>} : memref<16384xf32, #tpu.memory_space<vmem>>, vector<16xf32>,
      %mul3A_162 = arith.constant 8 : i32
      %mul3A_163 = arith.muli %scan3A_112, %mul3A_162 : i32
      %add3A_164 = arith.constant 6 : i32
      %add3A_165 = arith.addi %mul3A_163, %add3A_164 : i32
      %mul3A_166 = arith.constant 16 : i32
      %mul3A_167 = arith.muli %add3A_165, %mul3A_166 : i32
      %swap3A_168 = arith.index_cast %mul3A_167 : i32 to index
      %swap3A_169 = tpu.vector_load %arg8[%swap3A_168] {strides = array<i32>} : memref<16384xf32, #tpu.memory_space<vmem>>, vector<16xf32>,
      tpu.vector_store %arg8[%swap3A_168], %broadcast_in_dim3A_3 {strides = array<i32>} : memref<16384xf32, #tpu.memory_space<vmem>>, vector<16xf32>,
      %mul3A_170 = arith.constant 8 : i32
      %mul3A_171 = arith.muli %scan3A_112, %mul3A_170 : i32
      %add3A_172 = arith.constant 7 : i32
      %add3A_173 = arith.addi %mul3A_171, %add3A_172 : i32
      %mul3A_174 = arith.constant 16 : i32
      %mul3A_175 = arith.muli %add3A_173, %mul3A_174 : i32
      %swap3A_176 = arith.index_cast %mul3A_175 : i32 to index
      %swap3A_177 = tpu.vector_load %arg8[%swap3A_176] {strides = array<i32>} : memref<16384xf32, #tpu.memory_space<vmem>>, vector<16xf32>,
      tpu.vector_store %arg8[%swap3A_176], %broadcast_in_dim3A_3 {strides = array<i32>} : memref<16384xf32, #tpu.memory_space<vmem>>, vector<16xf32>,
      %scan3A_178 = arith.constant 0 : i32
      scf.yield %scan3A_178 : i32
    }
    %scan3A_9 = arith.constant 32 : i32
    %scan3A_10 = arith.constant 0 : i32
    %scan3A_11 = arith.constant 0 : i32
    %scan3A_12 = arith.constant 64 : i32
    %scan3A_13 = arith.addi %scan3A_11, %scan3A_12 : i32
    %scan3A_14 = arith.constant 1 : i32
    %scan3A_15 = scf.for %scan3A_112 = %scan3A_11 to %scan3A_13 step %scan3A_14 iter_args(%scan3A_113 = %scan3A_10) -> (i32)  : i32 {
      %mul3A_114 = arith.constant 8 : i32
      %mul3A_115 = arith.muli %scan3A_112, %mul3A_114 : i32
      %add3A_116 = arith.constant 0 : i32
      %add3A_117 = arith.addi %mul3A_115, %add3A_116 : i32
      %mul3A_118 = arith.constant 16 : i32
      %mul3A_119 = arith.muli %add3A_117, %mul3A_118 : i32
      %add3A_120 = arith.constant 8192 : i32
      %add3A_121 = arith.addi %add3A_120, %mul3A_119 : i32
      %swap3A_122 = arith.index_cast %add3A_121 : i32 to index
      %swap3A_123 = tpu.vector_load %arg8[%swap3A_122] {strides = array<i32>} : memref<16384xf32, #tpu.memory_space<vmem>>, vector<16xf32>,
      tpu.vector_store %arg8[%swap3A_122], %broadcast_in_dim3A_3 {strides = array<i32>} : memref<16384xf32, #tpu.memory_space<vmem>>, vector<16xf32>,
      %mul3A_124 = arith.constant 8 : i32
      %mul3A_125 = arith.muli %scan3A_112, %mul3A_124 : i32
      %add3A_126 = arith.constant 1 : i32
      %add3A_127 = arith.addi %mul3A_125, %add3A_126 : i32
      %mul3A_128 = arith.constant 16 : i32
      %mul3A_129 = arith.muli %add3A_127, %mul3A_128 : i32
      %add3A_130 = arith.constant 8192 : i32
      %add3A_131 = arith.addi %add3A_130, %mul3A_129 : i32
      %swap3A_132 = arith.index_cast %add3A_131 : i32 to index
      %swap3A_133 = tpu.vector_load %arg8[%swap3A_132] {strides = array<i32>} : memref<16384xf32, #tpu.memory_space<vmem>>, vector<16xf32>,
      tpu.vector_store %arg8[%swap3A_132], %broadcast_in_dim3A_3 {strides = array<i32>} : memref<16384xf32, #tpu.memory_space<vmem>>, vector<16xf32>,
      %mul3A_134 = arith.constant 8 : i32
      %mul3A_135 = arith.muli %scan3A_112, %mul3A_134 : i32
      %add3A_136 = arith.constant 2 : i32
      %add3A_137 = arith.addi %mul3A_135, %add3A_136 : i32
      %mul3A_138 = arith.constant 16 : i32
      %mul3A_139 = arith.muli %add3A_137, %mul3A_138 : i32
      %add3A_140 = arith.constant 8192 : i32
      %add3A_141 = arith.addi %add3A_140, %mul3A_139 : i32
      %swap3A_142 = arith.index_cast %add3A_141 : i32 to index
      %swap3A_143 = tpu.vector_load %arg8[%swap3A_142] {strides = array<i32>} : memref<16384xf32, #tpu.memory_space<vmem>>, vector<16xf32>,
      tpu.vector_store %arg8[%swap3A_142], %broadcast_in_dim3A_3 {strides = array<i32>} : memref<16384xf32, #tpu.memory_space<vmem>>, vector<16xf32>,
      %mul3A_144 = arith.constant 8 : i32
      %mul3A_145 = arith.muli %scan3A_112, %mul3A_144 : i32
      %add3A_146 = arith.constant 3 : i32
      %add3A_147 = arith.addi %mul3A_145, %add3A_146 : i32
      %mul3A_148 = arith.constant 16 : i32
      %mul3A_149 = arith.muli %add3A_147, %mul3A_148 : i32
      %add3A_150 = arith.constant 8192 : i32
      %add3A_151 = arith.addi %add3A_150, %mul3A_149 : i32
      %swap3A_152 = arith.index_cast %add3A_151 : i32 to index
      %swap3A_153 = tpu.vector_load %arg8[%swap3A_152] {strides = array<i32>} : memref<16384xf32, #tpu.memory_space<vmem>>, vector<16xf32>,
      tpu.vector_store %arg8[%swap3A_152], %broadcast_in_dim3A_3 {strides = array<i32>} : memref<16384xf32, #tpu.memory_space<vmem>>, vector<16xf32>,
      %mul3A_154 = arith.constant 8 : i32
      %mul3A_155 = arith.muli %scan3A_112, %mul3A_154 : i32
      %add3A_156 = arith.constant 4 : i32
      %add3A_157 = arith.addi %mul3A_155, %add3A_156 : i32
      %mul3A_158 = arith.constant 16 : i32
      %mul3A_159 = arith.muli %add3A_157, %mul3A_158 : i32
      %add3A_160 = arith.constant 8192 : i32
      %add3A_161 = arith.addi %add3A_160, %mul3A_159 : i32
      %swap3A_162 = arith.index_cast %add3A_161 : i32 to index
      %swap3A_163 = tpu.vector_load %arg8[%swap3A_162] {strides = array<i32>} : memref<16384xf32, #tpu.memory_space<vmem>>, vector<16xf32>,
      tpu.vector_store %arg8[%swap3A_162], %broadcast_in_dim3A_3 {strides = array<i32>} : memref<16384xf32, #tpu.memory_space<vmem>>, vector<16xf32>,
      %mul3A_164 = arith.constant 8 : i32
      %mul3A_165 = arith.muli %scan3A_112, %mul3A_164 : i32
      %add3A_166 = arith.constant 5 : i32
      %add3A_167 = arith.addi %mul3A_165, %add3A_166 : i32
      %mul3A_168 = arith.constant 16 : i32
      %mul3A_169 = arith.muli %add3A_167, %mul3A_168 : i32
      %add3A_170 = arith.constant 8192 : i32
      %add3A_171 = arith.addi %add3A_170, %mul3A_169 : i32
      %swap3A_172 = arith.index_cast %add3A_171 : i32 to index
      %swap3A_173 = tpu.vector_load %arg8[%swap3A_172] {strides = array<i32>} : memref<16384xf32, #tpu.memory_space<vmem>>, vector<16xf32>,
      tpu.vector_store %arg8[%swap3A_172], %broadcast_in_dim3A_3 {strides = array<i32>} : memref<16384xf32, #tpu.memory_space<vmem>>, vector<16xf32>,
      %mul3A_174 = arith.constant 8 : i32
      %mul3A_175 = arith.muli %scan3A_112, %mul3A_174 : i32
      %add3A_176 = arith.constant 6 : i32
      %add3A_177 = arith.addi %mul3A_175, %add3A_176 : i32
      %mul3A_178 = arith.constant 16 : i32
      %mul3A_179 = arith.muli %add3A_177, %mul3A_178 : i32
      %add3A_180 = arith.constant 8192 : i32
      %add3A_181 = arith.addi %add3A_180, %mul3A_179 : i32
      %swap3A_182 = arith.index_cast %add3A_181 : i32 to index
      %swap3A_183 = tpu.vector_load %arg8[%swap3A_182] {strides = array<i32>} : memref<16384xf32, #tpu.memory_space<vmem>>, vector<16xf32>,
      tpu.vector_store %arg8[%swap3A_182], %broadcast_in_dim3A_3 {strides = array<i32>} : memref<16384xf32, #tpu.memory_space<vmem>>, vector<16xf32>,
      %mul3A_184 = arith.constant 8 : i32
      %mul3A_185 = arith.muli %scan3A_112, %mul3A_184 : i32
      %add3A_186 = arith.constant 7 : i32
      %add3A_187 = arith.addi %mul3A_185, %add3A_186 : i32
      %mul3A_188 = arith.constant 16 : i32
      %mul3A_189 = arith.muli %add3A_187, %mul3A_188 : i32
      %add3A_190 = arith.constant 8192 : i32
      %add3A_191 = arith.addi %add3A_190, %mul3A_189 : i32
      %swap3A_192 = arith.index_cast %add3A_191 : i32 to index
      %swap3A_193 = tpu.vector_load %arg8[%swap3A_192] {strides = array<i32>} : memref<16384xf32, #tpu.memory_space<vmem>>, vector<16xf32>,
      tpu.vector_store %arg8[%swap3A_192], %broadcast_in_dim3A_3 {strides = array<i32>} : memref<16384xf32, #tpu.memory_space<vmem>>, vector<16xf32>,
      %scan3A_194 = arith.constant 0 : i32
      scf.yield %scan3A_194 : i32
    }
    %scan3A_16 = arith.constant 64 : i32
    %broadcast_in_dim3A_17 = arith.constant 1.000000e+00 : f32
    %broadcast_in_dim3A_18 = vector.broadcast %broadcast_in_dim3A_17 : f32 to vector<16xf32>
    %add3A_19 = arith.constant 0 : i32
    %add3A_20 = arith.addi %mul3A_2, %add3A_19 : i32
    %dma_start3A = arith.constant 0 : i32
    %dma_start3A_21 = arith.constant 0 : i32
    %dma_start3A_22 = tpu.memref_slice %arg6[%dma_start3A, %dma_start3A_21] : memref<2x2048xi32, #tpu.memory_space<vmem>> -> memref<1x2048xi32, #tpu.memory_space<vmem>>
    %dma_start3A_23 = tpu.memref_squeeze %dma_start3A_22 : memref<1x2048xi32, #tpu.memory_space<vmem>> -> memref<2048xi32, #tpu.memory_space<vmem>>
    %dma_start3A_24 = tpu.memref_slice %arg2[%add3A_20] : memref<1048576xi32, #tpu.memory_space<hbm>> -> memref<2048xi32, #tpu.memory_space<hbm>>
    %dma_start3A_25 = arith.constant 0 : i32
    %dma_start3A_26 = tpu.memref_slice %arg6[%dma_start3A, %dma_start3A_25] : memref<2x2048xi32, #tpu.memory_space<vmem>> -> memref<1x2048xi32, #tpu.memory_space<vmem>>
    %dma_start3A_27 = tpu.memref_squeeze %dma_start3A_26 : memref<1x2048xi32, #tpu.memory_space<vmem>> -> memref<2048xi32, #tpu.memory_space<vmem>>
    %dma_start3A_28 = tpu.memref_slice %arg2[%add3A_20] : memref<1048576xi32, #tpu.memory_space<hbm>> -> memref<2048xi32, #tpu.memory_space<hbm>>
    tpu.enqueue_dma source(%dma_start3A_28 : memref<2048xi32, #tpu.memory_space<hbm>>) target(%dma_start3A_27 : memref<2048xi32, #tpu.memory_space<vmem>>) target_semaphore(%arg10 : memref<!tpu.dma_semaphore, #tpu.memory_space<semaphore_mem>>)
    %dma_start3A_29 = arith.constant 0 : i32
    %dma_start3A_30 = arith.constant 0 : i32
    %dma_start3A_31 = tpu.memref_slice %arg7[%dma_start3A_29, %dma_start3A_30] : memref<2x2048xf32, #tpu.memory_space<vmem>> -> memref<1x2048xf32, #tpu.memory_space<vmem>>
    %dma_start3A_32 = tpu.memref_squeeze %dma_start3A_31 : memref<1x2048xf32, #tpu.memory_space<vmem>> -> memref<2048xf32, #tpu.memory_space<vmem>>
    %dma_start3A_33 = tpu.memref_slice %arg3[%add3A_20] : memref<1048576xf32, #tpu.memory_space<hbm>> -> memref<2048xf32, #tpu.memory_space<hbm>>
    %dma_start3A_34 = arith.constant 0 : i32
    %dma_start3A_35 = tpu.memref_slice %arg7[%dma_start3A_29, %dma_start3A_34] : memref<2x2048xf32, #tpu.memory_space<vmem>> -> memref<1x2048xf32, #tpu.memory_space<vmem>>
    %dma_start3A_36 = tpu.memref_squeeze %dma_start3A_35 : memref<1x2048xf32, #tpu.memory_space<vmem>> -> memref<2048xf32, #tpu.memory_space<vmem>>
    %dma_start3A_37 = tpu.memref_slice %arg3[%add3A_20] : memref<1048576xf32, #tpu.memory_space<hbm>> -> memref<2048xf32, #tpu.memory_space<hbm>>
    tpu.enqueue_dma source(%dma_start3A_37 : memref<2048xf32, #tpu.memory_space<hbm>>) target(%dma_start3A_36 : memref<2048xf32, #tpu.memory_space<vmem>>) target_semaphore(%arg10 : memref<!tpu.dma_semaphore, #tpu.memory_space<semaphore_mem>>)
    %add3A_38 = arith.constant 2048 : i32
    %add3A_39 = arith.addi %mul3A_2, %add3A_38 : i32
    %dma_start3A_40 = arith.constant 1 : i32
    %dma_start3A_41 = arith.constant 0 : i32
    %dma_start3A_42 = tpu.memref_slice %arg6[%dma_start3A_40, %dma_start3A_41] : memref<2x2048xi32, #tpu.memory_space<vmem>> -> memref<1x2048xi32, #tpu.memory_space<vmem>>
    %dma_start3A_43 = tpu.memref_squeeze %dma_start3A_42 : memref<1x2048xi32, #tpu.memory_space<vmem>> -> memref<2048xi32, #tpu.memory_space<vmem>>
    %dma_start3A_44 = tpu.memref_slice %arg2[%add3A_39] : memref<1048576xi32, #tpu.memory_space<hbm>> -> memref<2048xi32, #tpu.memory_space<hbm>>
    %dma_start3A_45 = arith.constant 0 : i32
    %dma_start3A_46 = tpu.memref_slice %arg6[%dma_start3A_40, %dma_start3A_45] : memref<2x2048xi32, #tpu.memory_space<vmem>> -> memref<1x2048xi32, #tpu.memory_space<vmem>>
    %dma_start3A_47 = tpu.memref_squeeze %dma_start3A_46 : memref<1x2048xi32, #tpu.memory_space<vmem>> -> memref<2048xi32, #tpu.memory_space<vmem>>
    %dma_start3A_48 = tpu.memref_slice %arg2[%add3A_39] : memref<1048576xi32, #tpu.memory_space<hbm>> -> memref<2048xi32, #tpu.memory_space<hbm>>
    tpu.enqueue_dma source(%dma_start3A_48 : memref<2048xi32, #tpu.memory_space<hbm>>) target(%dma_start3A_47 : memref<2048xi32, #tpu.memory_space<vmem>>) target_semaphore(%arg11 : memref<!tpu.dma_semaphore, #tpu.memory_space<semaphore_mem>>)
    %dma_start3A_49 = arith.constant 1 : i32
    %dma_start3A_50 = arith.constant 0 : i32
    %dma_start3A_51 = tpu.memref_slice %arg7[%dma_start3A_49, %dma_start3A_50] : memref<2x2048xf32, #tpu.memory_space<vmem>> -> memref<1x2048xf32, #tpu.memory_space<vmem>>
    %dma_start3A_52 = tpu.memref_squeeze %dma_start3A_51 : memref<1x2048xf32, #tpu.memory_space<vmem>> -> memref<2048xf32, #tpu.memory_space<vmem>>
    %dma_start3A_53 = tpu.memref_slice %arg3[%add3A_39] : memref<1048576xf32, #tpu.memory_space<hbm>> -> memref<2048xf32, #tpu.memory_space<hbm>>
    %dma_start3A_54 = arith.constant 0 : i32
    %dma_start3A_55 = tpu.memref_slice %arg7[%dma_start3A_49, %dma_start3A_54] : memref<2x2048xf32, #tpu.memory_space<vmem>> -> memref<1x2048xf32, #tpu.memory_space<vmem>>
    %dma_start3A_56 = tpu.memref_squeeze %dma_start3A_55 : memref<1x2048xf32, #tpu.memory_space<vmem>> -> memref<2048xf32, #tpu.memory_space<vmem>>
    %dma_start3A_57 = tpu.memref_slice %arg3[%add3A_39] : memref<1048576xf32, #tpu.memory_space<hbm>> -> memref<2048xf32, #tpu.memory_space<hbm>>
    tpu.enqueue_dma source(%dma_start3A_57 : memref<2048xf32, #tpu.memory_space<hbm>>) target(%dma_start3A_56 : memref<2048xf32, #tpu.memory_space<vmem>>) target_semaphore(%arg11 : memref<!tpu.dma_semaphore, #tpu.memory_space<semaphore_mem>>)
    %scan3A_58 = arith.constant 0 : i32
    %scan3A_59 = arith.constant 7 : i32
    %scan3A_60 = arith.addi %scan3A_58, %scan3A_59 : i32
    %scan3A_61 = arith.constant 1 : i32
    %scan3A_62 = scf.for %scan3A_112 = %scan3A_58 to %scan3A_60 step %scan3A_61 iter_args(%scan3A_113 = %broadcast_in_dim3A_3) -> (vector<16xf32>)  : i32 {
      %mul3A_114 = arith.constant 2 : i32
      %mul3A_115 = arith.muli %scan3A_112, %mul3A_114 : i32
      %dma_wait3A_116 = arith.constant 0 : i32
      %dma_wait3A_117 = arith.constant 0 : i32
      %dma_wait3A_118 = tpu.memref_slice %arg6[%dma_wait3A_116, %dma_wait3A_117] : memref<2x2048xi32, #tpu.memory_space<vmem>> -> memref<1x2048xi32, #tpu.memory_space<vmem>>
      %dma_wait3A_119 = tpu.memref_squeeze %dma_wait3A_118 : memref<1x2048xi32, #tpu.memory_space<vmem>> -> memref<2048xi32, #tpu.memory_space<vmem>>
      %dma_wait3A_120 = tpu.memref_slice %arg2[%mul3A_2] : memref<1048576xi32, #tpu.memory_space<hbm>> -> memref<2048xi32, #tpu.memory_space<hbm>>
      %dma_wait3A_121 = arith.constant 0 : i32
      %dma_wait3A_122 = tpu.memref_slice %arg6[%dma_wait3A_116, %dma_wait3A_121] : memref<2x2048xi32, #tpu.memory_space<vmem>> -> memref<1x2048xi32, #tpu.memory_space<vmem>>
      %dma_wait3A_123 = tpu.memref_squeeze %dma_wait3A_122 : memref<1x2048xi32, #tpu.memory_space<vmem>> -> memref<2048xi32, #tpu.memory_space<vmem>>
      %dma_wait3A_124 = tpu.memref_slice %arg2[%mul3A_2] : memref<1048576xi32, #tpu.memory_space<hbm>> -> memref<2048xi32, #tpu.memory_space<hbm>>
      tpu.wait_dma2 semaphore(%arg10 : memref<!tpu.dma_semaphore, #tpu.memory_space<semaphore_mem>>) src(%dma_wait3A_124 : memref<2048xi32, #tpu.memory_space<hbm>>) dst(%dma_wait3A_123 : memref<2048xi32, #tpu.memory_space<vmem>>)
      %dma_wait3A_125 = arith.constant 0 : i32
      %dma_wait3A_126 = arith.constant 0 : i32
      %dma_wait3A_127 = tpu.memref_slice %arg7[%dma_wait3A_125, %dma_wait3A_126] : memref<2x2048xf32, #tpu.memory_space<vmem>> -> memref<1x2048xf32, #tpu.memory_space<vmem>>
      %dma_wait3A_128 = tpu.memref_squeeze %dma_wait3A_127 : memref<1x2048xf32, #tpu.memory_space<vmem>> -> memref<2048xf32, #tpu.memory_space<vmem>>
      %dma_wait3A_129 = tpu.memref_slice %arg3[%mul3A_2] : memref<1048576xf32, #tpu.memory_space<hbm>> -> memref<2048xf32, #tpu.memory_space<hbm>>
      %dma_wait3A_130 = arith.constant 0 : i32
      %dma_wait3A_131 = tpu.memref_slice %arg7[%dma_wait3A_125, %dma_wait3A_130] : memref<2x2048xf32, #tpu.memory_space<vmem>> -> memref<1x2048xf32, #tpu.memory_space<vmem>>
      %dma_wait3A_132 = tpu.memref_squeeze %dma_wait3A_131 : memref<1x2048xf32, #tpu.memory_space<vmem>> -> memref<2048xf32, #tpu.memory_space<vmem>>
      %dma_wait3A_133 = tpu.memref_slice %arg3[%mul3A_2] : memref<1048576xf32, #tpu.memory_space<hbm>> -> memref<2048xf32, #tpu.memory_space<hbm>>
      tpu.wait_dma2 semaphore(%arg10 : memref<!tpu.dma_semaphore, #tpu.memory_space<semaphore_mem>>) src(%dma_wait3A_133 : memref<2048xf32, #tpu.memory_space<hbm>>) dst(%dma_wait3A_132 : memref<2048xf32, #tpu.memory_space<vmem>>)
      %scan3A_134 = arith.constant 0 : i32
      %scan3A_135 = arith.constant 32 : i32
      %scan3A_136 = arith.addi %scan3A_134, %scan3A_135 : i32
      %scan3A_137 = arith.constant 1 : i32
      %scan3A_138 = scf.for %scan3A_214 = %scan3A_134 to %scan3A_136 step %scan3A_137 iter_args(%scan3A_215 = %scan3A_113) -> (vector<16xf32>)  : i32 {
        %mul3A_216 = arith.constant 64 : i32
        %mul3A_217 = arith.muli %scan3A_214, %mul3A_216 : i32
        %add3A_218 = arith.constant 0 : i32
        %add3A_219 = arith.addi %mul3A_217, %add3A_218 : i32
        %get3A = arith.constant 0 : i32
        %get3A_220 = arith.index_cast %get3A : i32 to index
        %get3A_221 = arith.index_cast %add3A_219 : i32 to index
        %get3A_222 = tpu.vector_load %arg6[%get3A_220, %get3A_221] {strides = array<i32>} : memref<2x2048xi32, #tpu.memory_space<vmem>>, vector<16xi32>,
        %get3A_223 = arith.constant 0 : i32
        %get3A_224 = arith.index_cast %get3A_223 : i32 to index
        %get3A_225 = arith.index_cast %add3A_219 : i32 to index
        %get3A_226 = tpu.vector_load %arg7[%get3A_224, %get3A_225] {strides = array<i32>} : memref<2x2048xf32, #tpu.memory_space<vmem>>, vector<16xf32>,
        %exp3A = math.exp %get3A_226 : vector<16xf32>
        %ge3A = arith.constant 8192 : i32
        %ge3A_227 = vector.broadcast %ge3A : i32 to vector<16xi32>
        %ge3A_228 = arith.cmpi sge, %get3A_222, %ge3A_227 : vector<16xi32>
        tpu.vector_store_idx %arg8[%get3A_222], %exp3A {add = true} : memref<16384xf32, #tpu.memory_space<vmem>>[vector<16xi32>], vector<16xf32>,
        %add3A_229 = arith.constant 4096 : i32
        %add3A_230 = vector.broadcast %add3A_229 : i32 to vector<16xi32>
        %add3A_231 = arith.addi %get3A_222, %add3A_230 : vector<16xi32>
        tpu.vector_store_idx %arg8[%add3A_231], %broadcast_in_dim3A_18 masked %ge3A_228 {add = true} : memref<16384xf32, #tpu.memory_space<vmem>>[vector<16xi32>], vector<16xf32>, vector<16xi1>
        %jit3A = arith.constant 0.000000e+00 : f32
        %broadcast_in_dim3A_232 = vector.broadcast %jit3A : f32 to vector<16xf32>
        %select_n3A = arith.select %ge3A_228, %get3A_226, %broadcast_in_dim3A_232 : vector<16xi1>, vector<16xf32>
        %add3A_233 = arith.addf %scan3A_215, %select_n3A : vector<16xf32>
        %add3A_234 = arith.constant 16 : i32
        %add3A_235 = arith.addi %mul3A_217, %add3A_234 : i32
        %get3A_236 = arith.constant 0 : i32
        %get3A_237 = arith.index_cast %get3A_236 : i32 to index
        %get3A_238 = arith.index_cast %add3A_235 : i32 to index
        %get3A_239 = tpu.vector_load %arg6[%get3A_237, %get3A_238] {strides = array<i32>} : memref<2x2048xi32, #tpu.memory_space<vmem>>, vector<16xi32>,
        %get3A_240 = arith.constant 0 : i32
        %get3A_241 = arith.index_cast %get3A_240 : i32 to index
        %get3A_242 = arith.index_cast %add3A_235 : i32 to index
        %get3A_243 = tpu.vector_load %arg7[%get3A_241, %get3A_242] {strides = array<i32>} : memref<2x2048xf32, #tpu.memory_space<vmem>>, vector<16xf32>,
        %exp3A_244 = math.exp %get3A_243 : vector<16xf32>
        %ge3A_245 = arith.constant 8192 : i32
        %ge3A_246 = vector.broadcast %ge3A_245 : i32 to vector<16xi32>
        %ge3A_247 = arith.cmpi sge, %get3A_239, %ge3A_246 : vector<16xi32>
        tpu.vector_store_idx %arg8[%get3A_239], %exp3A_244 {add = true} : memref<16384xf32, #tpu.memory_space<vmem>>[vector<16xi32>], vector<16xf32>,
        %add3A_248 = arith.constant 4096 : i32
        %add3A_249 = vector.broadcast %add3A_248 : i32 to vector<16xi32>
        %add3A_250 = arith.addi %get3A_239, %add3A_249 : vector<16xi32>
        tpu.vector_store_idx %arg8[%add3A_250], %broadcast_in_dim3A_18 masked %ge3A_247 {add = true} : memref<16384xf32, #tpu.memory_space<vmem>>[vector<16xi32>], vector<16xf32>, vector<16xi1>
        %jit3A_251 = arith.constant 0.000000e+00 : f32
        %broadcast_in_dim3A_252 = vector.broadcast %jit3A_251 : f32 to vector<16xf32>
        %select_n3A_253 = arith.select %ge3A_247, %get3A_243, %broadcast_in_dim3A_252 : vector<16xi1>, vector<16xf32>
        %add3A_254 = arith.addf %add3A_233, %select_n3A_253 : vector<16xf32>
        %add3A_255 = arith.constant 32 : i32
        %add3A_256 = arith.addi %mul3A_217, %add3A_255 : i32
        %get3A_257 = arith.constant 0 : i32
        %get3A_258 = arith.index_cast %get3A_257 : i32 to index
        %get3A_259 = arith.index_cast %add3A_256 : i32 to index
        %get3A_260 = tpu.vector_load %arg6[%get3A_258, %get3A_259] {strides = array<i32>} : memref<2x2048xi32, #tpu.memory_space<vmem>>, vector<16xi32>,
        %get3A_261 = arith.constant 0 : i32
        %get3A_262 = arith.index_cast %get3A_261 : i32 to index
        %get3A_263 = arith.index_cast %add3A_256 : i32 to index
        %get3A_264 = tpu.vector_load %arg7[%get3A_262, %get3A_263] {strides = array<i32>} : memref<2x2048xf32, #tpu.memory_space<vmem>>, vector<16xf32>,
        %exp3A_265 = math.exp %get3A_264 : vector<16xf32>
        %ge3A_266 = arith.constant 8192 : i32
        %ge3A_267 = vector.broadcast %ge3A_266 : i32 to vector<16xi32>
        %ge3A_268 = arith.cmpi sge, %get3A_260, %ge3A_267 : vector<16xi32>
        tpu.vector_store_idx %arg8[%get3A_260], %exp3A_265 {add = true} : memref<16384xf32, #tpu.memory_space<vmem>>[vector<16xi32>], vector<16xf32>,
        %add3A_269 = arith.constant 4096 : i32
        %add3A_270 = vector.broadcast %add3A_269 : i32 to vector<16xi32>
        %add3A_271 = arith.addi %get3A_260, %add3A_270 : vector<16xi32>
        tpu.vector_store_idx %arg8[%add3A_271], %broadcast_in_dim3A_18 masked %ge3A_268 {add = true} : memref<16384xf32, #tpu.memory_space<vmem>>[vector<16xi32>], vector<16xf32>, vector<16xi1>
        %jit3A_272 = arith.constant 0.000000e+00 : f32
        %broadcast_in_dim3A_273 = vector.broadcast %jit3A_272 : f32 to vector<16xf32>
        %select_n3A_274 = arith.select %ge3A_268, %get3A_264, %broadcast_in_dim3A_273 : vector<16xi1>, vector<16xf32>
        %add3A_275 = arith.addf %add3A_254, %select_n3A_274 : vector<16xf32>
        %add3A_276 = arith.constant 48 : i32
        %add3A_277 = arith.addi %mul3A_217, %add3A_276 : i32
        %get3A_278 = arith.constant 0 : i32
        %get3A_279 = arith.index_cast %get3A_278 : i32 to index
        %get3A_280 = arith.index_cast %add3A_277 : i32 to index
        %get3A_281 = tpu.vector_load %arg6[%get3A_279, %get3A_280] {strides = array<i32>} : memref<2x2048xi32, #tpu.memory_space<vmem>>, vector<16xi32>,
        %get3A_282 = arith.constant 0 : i32
        %get3A_283 = arith.index_cast %get3A_282 : i32 to index
        %get3A_284 = arith.index_cast %add3A_277 : i32 to index
        %get3A_285 = tpu.vector_load %arg7[%get3A_283, %get3A_284] {strides = array<i32>} : memref<2x2048xf32, #tpu.memory_space<vmem>>, vector<16xf32>,
        %exp3A_286 = math.exp %get3A_285 : vector<16xf32>
        %ge3A_287 = arith.constant 8192 : i32
        %ge3A_288 = vector.broadcast %ge3A_287 : i32 to vector<16xi32>
        %ge3A_289 = arith.cmpi sge, %get3A_281, %ge3A_288 : vector<16xi32>
        tpu.vector_store_idx %arg8[%get3A_281], %exp3A_286 {add = true} : memref<16384xf32, #tpu.memory_space<vmem>>[vector<16xi32>], vector<16xf32>,
        %add3A_290 = arith.constant 4096 : i32
        %add3A_291 = vector.broadcast %add3A_290 : i32 to vector<16xi32>
        %add3A_292 = arith.addi %get3A_281, %add3A_291 : vector<16xi32>
        tpu.vector_store_idx %arg8[%add3A_292], %broadcast_in_dim3A_18 masked %ge3A_289 {add = true} : memref<16384xf32, #tpu.memory_space<vmem>>[vector<16xi32>], vector<16xf32>, vector<16xi1>
        %jit3A_293 = arith.constant 0.000000e+00 : f32
        %broadcast_in_dim3A_294 = vector.broadcast %jit3A_293 : f32 to vector<16xf32>
        %select_n3A_295 = arith.select %ge3A_289, %get3A_285, %broadcast_in_dim3A_294 : vector<16xi1>, vector<16xf32>
        %add3A_296 = arith.addf %add3A_275, %select_n3A_295 : vector<16xf32>
        scf.yield %add3A_296 : vector<16xf32>
      }
      %scan3A_139 = arith.constant 32 : i32
      %add3A_140 = arith.constant 0 : i32
      %add3A_141 = arith.addi %mul3A_115, %add3A_140 : i32
      %add3A_142 = arith.constant 2 : i32
      %add3A_143 = arith.addi %add3A_141, %add3A_142 : i32
      %mul3A_144 = arith.constant 2048 : i32
      %mul3A_145 = arith.muli %add3A_143, %mul3A_144 : i32
      %add3A_146 = arith.addi %mul3A_2, %mul3A_145 : i32
      %dma_start3A_147 = arith.constant 0 : i32
      %dma_start3A_148 = arith.constant 0 : i32
      %dma_start3A_149 = tpu.memref_slice %arg6[%dma_start3A_147, %dma_start3A_148] : memref<2x2048xi32, #tpu.memory_space<vmem>> -> memref<1x2048xi32, #tpu.memory_space<vmem>>
      %dma_start3A_150 = tpu.memref_squeeze %dma_start3A_149 : memref<1x2048xi32, #tpu.memory_space<vmem>> -> memref<2048xi32, #tpu.memory_space<vmem>>
      %dma_start3A_151 = tpu.memref_slice %arg2[%add3A_146] : memref<1048576xi32, #tpu.memory_space<hbm>> -> memref<2048xi32, #tpu.memory_space<hbm>>
      %dma_start3A_152 = arith.constant 0 : i32
      %dma_start3A_153 = tpu.memref_slice %arg6[%dma_start3A_147, %dma_start3A_152] : memref<2x2048xi32, #tpu.memory_space<vmem>> -> memref<1x2048xi32, #tpu.memory_space<vmem>>
      %dma_start3A_154 = tpu.memref_squeeze %dma_start3A_153 : memref<1x2048xi32, #tpu.memory_space<vmem>> -> memref<2048xi32, #tpu.memory_space<vmem>>
      %dma_start3A_155 = tpu.memref_slice %arg2[%add3A_146] : memref<1048576xi32, #tpu.memory_space<hbm>> -> memref<2048xi32, #tpu.memory_space<hbm>>
      tpu.enqueue_dma source(%dma_start3A_155 : memref<2048xi32, #tpu.memory_space<hbm>>) target(%dma_start3A_154 : memref<2048xi32, #tpu.memory_space<vmem>>) target_semaphore(%arg10 : memref<!tpu.dma_semaphore, #tpu.memory_space<semaphore_mem>>)
      %dma_start3A_156 = arith.constant 0 : i32
      %dma_start3A_157 = arith.constant 0 : i32
      %dma_start3A_158 = tpu.memref_slice %arg7[%dma_start3A_156, %dma_start3A_157] : memref<2x2048xf32, #tpu.memory_space<vmem>> -> memref<1x2048xf32, #tpu.memory_space<vmem>>
      %dma_start3A_159 = tpu.memref_squeeze %dma_start3A_158 : memref<1x2048xf32, #tpu.memory_space<vmem>> -> memref<2048xf32, #tpu.memory_space<vmem>>
      %dma_start3A_160 = tpu.memref_slice %arg3[%add3A_146] : memref<1048576xf32, #tpu.memory_space<hbm>> -> memref<2048xf32, #tpu.memory_space<hbm>>
      %dma_start3A_161 = arith.constant 0 : i32
      %dma_start3A_162 = tpu.memref_slice %arg7[%dma_start3A_156, %dma_start3A_161] : memref<2x2048xf32, #tpu.memory_space<vmem>> -> memref<1x2048xf32, #tpu.memory_space<vmem>>
      %dma_start3A_163 = tpu.memref_squeeze %dma_start3A_162 : memref<1x2048xf32, #tpu.memory_space<vmem>> -> memref<2048xf32, #tpu.memory_space<vmem>>
      %dma_start3A_164 = tpu.memref_slice %arg3[%add3A_146] : memref<1048576xf32, #tpu.memory_space<hbm>> -> memref<2048xf32, #tpu.memory_space<hbm>>
      tpu.enqueue_dma source(%dma_start3A_164 : memref<2048xf32, #tpu.memory_space<hbm>>) target(%dma_start3A_163 : memref<2048xf32, #tpu.memory_space<vmem>>) target_semaphore(%arg10 : memref<!tpu.dma_semaphore, #tpu.memory_space<semaphore_mem>>)
      %dma_wait3A_165 = arith.constant 1 : i32
      %dma_wait3A_166 = arith.constant 0 : i32
      %dma_wait3A_167 = tpu.memref_slice %arg6[%dma_wait3A_165, %dma_wait3A_166] : memref<2x2048xi32, #tpu.memory_space<vmem>> -> memref<1x2048xi32, #tpu.memory_space<vmem>>
      %dma_wait3A_168 = tpu.memref_squeeze %dma_wait3A_167 : memref<1x2048xi32, #tpu.memory_space<vmem>> -> memref<2048xi32, #tpu.memory_space<vmem>>
      %dma_wait3A_169 = tpu.memref_slice %arg2[%mul3A_2] : memref<1048576xi32, #tpu.memory_space<hbm>> -> memref<2048xi32, #tpu.memory_space<hbm>>
      %dma_wait3A_170 = arith.constant 0 : i32
      %dma_wait3A_171 = tpu.memref_slice %arg6[%dma_wait3A_165, %dma_wait3A_170] : memref<2x2048xi32, #tpu.memory_space<vmem>> -> memref<1x2048xi32, #tpu.memory_space<vmem>>
      %dma_wait3A_172 = tpu.memref_squeeze %dma_wait3A_171 : memref<1x2048xi32, #tpu.memory_space<vmem>> -> memref<2048xi32, #tpu.memory_space<vmem>>
      %dma_wait3A_173 = tpu.memref_slice %arg2[%mul3A_2] : memref<1048576xi32, #tpu.memory_space<hbm>> -> memref<2048xi32, #tpu.memory_space<hbm>>
      tpu.wait_dma2 semaphore(%arg11 : memref<!tpu.dma_semaphore, #tpu.memory_space<semaphore_mem>>) src(%dma_wait3A_173 : memref<2048xi32, #tpu.memory_space<hbm>>) dst(%dma_wait3A_172 : memref<2048xi32, #tpu.memory_space<vmem>>)
      %dma_wait3A_174 = arith.constant 1 : i32
      %dma_wait3A_175 = arith.constant 0 : i32
      %dma_wait3A_176 = tpu.memref_slice %arg7[%dma_wait3A_174, %dma_wait3A_175] : memref<2x2048xf32, #tpu.memory_space<vmem>> -> memref<1x2048xf32, #tpu.memory_space<vmem>>
      %dma_wait3A_177 = tpu.memref_squeeze %dma_wait3A_176 : memref<1x2048xf32, #tpu.memory_space<vmem>> -> memref<2048xf32, #tpu.memory_space<vmem>>
      %dma_wait3A_178 = tpu.memref_slice %arg3[%mul3A_2] : memref<1048576xf32, #tpu.memory_space<hbm>> -> memref<2048xf32, #tpu.memory_space<hbm>>
      %dma_wait3A_179 = arith.constant 0 : i32
      %dma_wait3A_180 = tpu.memref_slice %arg7[%dma_wait3A_174, %dma_wait3A_179] : memref<2x2048xf32, #tpu.memory_space<vmem>> -> memref<1x2048xf32, #tpu.memory_space<vmem>>
      %dma_wait3A_181 = tpu.memref_squeeze %dma_wait3A_180 : memref<1x2048xf32, #tpu.memory_space<vmem>> -> memref<2048xf32, #tpu.memory_space<vmem>>
      %dma_wait3A_182 = tpu.memref_slice %arg3[%mul3A_2] : memref<1048576xf32, #tpu.memory_space<hbm>> -> memref<2048xf32, #tpu.memory_space<hbm>>
      tpu.wait_dma2 semaphore(%arg11 : memref<!tpu.dma_semaphore, #tpu.memory_space<semaphore_mem>>) src(%dma_wait3A_182 : memref<2048xf32, #tpu.memory_space<hbm>>) dst(%dma_wait3A_181 : memref<2048xf32, #tpu.memory_space<vmem>>)
      %scan3A_183 = arith.constant 0 : i32
      %scan3A_184 = arith.constant 32 : i32
      %scan3A_185 = arith.addi %scan3A_183, %scan3A_184 : i32
      %scan3A_186 = arith.constant 1 : i32
      %scan3A_187 = scf.for %scan3A_214 = %scan3A_183 to %scan3A_185 step %scan3A_186 iter_args(%scan3A_215 = %scan3A_138) -> (vector<16xf32>)  : i32 {
        %mul3A_216 = arith.constant 64 : i32
        %mul3A_217 = arith.muli %scan3A_214, %mul3A_216 : i32
        %add3A_218 = arith.constant 0 : i32
        %add3A_219 = arith.addi %mul3A_217, %add3A_218 : i32
        %get3A = arith.constant 1 : i32
        %get3A_220 = arith.index_cast %get3A : i32 to index
        %get3A_221 = arith.index_cast %add3A_219 : i32 to index
        %get3A_222 = tpu.vector_load %arg6[%get3A_220, %get3A_221] {strides = array<i32>} : memref<2x2048xi32, #tpu.memory_space<vmem>>, vector<16xi32>,
        %get3A_223 = arith.constant 1 : i32
        %get3A_224 = arith.index_cast %get3A_223 : i32 to index
        %get3A_225 = arith.index_cast %add3A_219 : i32 to index
        %get3A_226 = tpu.vector_load %arg7[%get3A_224, %get3A_225] {strides = array<i32>} : memref<2x2048xf32, #tpu.memory_space<vmem>>, vector<16xf32>,
        %exp3A = math.exp %get3A_226 : vector<16xf32>
        %ge3A = arith.constant 8192 : i32
        %ge3A_227 = vector.broadcast %ge3A : i32 to vector<16xi32>
        %ge3A_228 = arith.cmpi sge, %get3A_222, %ge3A_227 : vector<16xi32>
        tpu.vector_store_idx %arg8[%get3A_222], %exp3A {add = true} : memref<16384xf32, #tpu.memory_space<vmem>>[vector<16xi32>], vector<16xf32>,
        %add3A_229 = arith.constant 4096 : i32
        %add3A_230 = vector.broadcast %add3A_229 : i32 to vector<16xi32>
        %add3A_231 = arith.addi %get3A_222, %add3A_230 : vector<16xi32>
        tpu.vector_store_idx %arg8[%add3A_231], %broadcast_in_dim3A_18 masked %ge3A_228 {add = true} : memref<16384xf32, #tpu.memory_space<vmem>>[vector<16xi32>], vector<16xf32>, vector<16xi1>
        %jit3A = arith.constant 0.000000e+00 : f32
        %broadcast_in_dim3A_232 = vector.broadcast %jit3A : f32 to vector<16xf32>
        %select_n3A = arith.select %ge3A_228, %get3A_226, %broadcast_in_dim3A_232 : vector<16xi1>, vector<16xf32>
        %add3A_233 = arith.addf %scan3A_215, %select_n3A : vector<16xf32>
        %add3A_234 = arith.constant 16 : i32
        %add3A_235 = arith.addi %mul3A_217, %add3A_234 : i32
        %get3A_236 = arith.constant 1 : i32
        %get3A_237 = arith.index_cast %get3A_236 : i32 to index
        %get3A_238 = arith.index_cast %add3A_235 : i32 to index
        %get3A_239 = tpu.vector_load %arg6[%get3A_237, %get3A_238] {strides = array<i32>} : memref<2x2048xi32, #tpu.memory_space<vmem>>, vector<16xi32>,
        %get3A_240 = arith.constant 1 : i32
        %get3A_241 = arith.index_cast %get3A_240 : i32 to index
        %get3A_242 = arith.index_cast %add3A_235 : i32 to index
        %get3A_243 = tpu.vector_load %arg7[%get3A_241, %get3A_242] {strides = array<i32>} : memref<2x2048xf32, #tpu.memory_space<vmem>>, vector<16xf32>,
        %exp3A_244 = math.exp %get3A_243 : vector<16xf32>
        %ge3A_245 = arith.constant 8192 : i32
        %ge3A_246 = vector.broadcast %ge3A_245 : i32 to vector<16xi32>
        %ge3A_247 = arith.cmpi sge, %get3A_239, %ge3A_246 : vector<16xi32>
        tpu.vector_store_idx %arg8[%get3A_239], %exp3A_244 {add = true} : memref<16384xf32, #tpu.memory_space<vmem>>[vector<16xi32>], vector<16xf32>,
        %add3A_248 = arith.constant 4096 : i32
        %add3A_249 = vector.broadcast %add3A_248 : i32 to vector<16xi32>
        %add3A_250 = arith.addi %get3A_239, %add3A_249 : vector<16xi32>
        tpu.vector_store_idx %arg8[%add3A_250], %broadcast_in_dim3A_18 masked %ge3A_247 {add = true} : memref<16384xf32, #tpu.memory_space<vmem>>[vector<16xi32>], vector<16xf32>, vector<16xi1>
        %jit3A_251 = arith.constant 0.000000e+00 : f32
        %broadcast_in_dim3A_252 = vector.broadcast %jit3A_251 : f32 to vector<16xf32>
        %select_n3A_253 = arith.select %ge3A_247, %get3A_243, %broadcast_in_dim3A_252 : vector<16xi1>, vector<16xf32>
        %add3A_254 = arith.addf %add3A_233, %select_n3A_253 : vector<16xf32>
        %add3A_255 = arith.constant 32 : i32
        %add3A_256 = arith.addi %mul3A_217, %add3A_255 : i32
        %get3A_257 = arith.constant 1 : i32
        %get3A_258 = arith.index_cast %get3A_257 : i32 to index
        %get3A_259 = arith.index_cast %add3A_256 : i32 to index
        %get3A_260 = tpu.vector_load %arg6[%get3A_258, %get3A_259] {strides = array<i32>} : memref<2x2048xi32, #tpu.memory_space<vmem>>, vector<16xi32>,
        %get3A_261 = arith.constant 1 : i32
        %get3A_262 = arith.index_cast %get3A_261 : i32 to index
        %get3A_263 = arith.index_cast %add3A_256 : i32 to index
        %get3A_264 = tpu.vector_load %arg7[%get3A_262, %get3A_263] {strides = array<i32>} : memref<2x2048xf32, #tpu.memory_space<vmem>>, vector<16xf32>,
        %exp3A_265 = math.exp %get3A_264 : vector<16xf32>
        %ge3A_266 = arith.constant 8192 : i32
        %ge3A_267 = vector.broadcast %ge3A_266 : i32 to vector<16xi32>
        %ge3A_268 = arith.cmpi sge, %get3A_260, %ge3A_267 : vector<16xi32>
        tpu.vector_store_idx %arg8[%get3A_260], %exp3A_265 {add = true} : memref<16384xf32, #tpu.memory_space<vmem>>[vector<16xi32>], vector<16xf32>,
        %add3A_269 = arith.constant 4096 : i32
        %add3A_270 = vector.broadcast %add3A_269 : i32 to vector<16xi32>
        %add3A_271 = arith.addi %get3A_260, %add3A_270 : vector<16xi32>
        tpu.vector_store_idx %arg8[%add3A_271], %broadcast_in_dim3A_18 masked %ge3A_268 {add = true} : memref<16384xf32, #tpu.memory_space<vmem>>[vector<16xi32>], vector<16xf32>, vector<16xi1>
        %jit3A_272 = arith.constant 0.000000e+00 : f32
        %broadcast_in_dim3A_273 = vector.broadcast %jit3A_272 : f32 to vector<16xf32>
        %select_n3A_274 = arith.select %ge3A_268, %get3A_264, %broadcast_in_dim3A_273 : vector<16xi1>, vector<16xf32>
        %add3A_275 = arith.addf %add3A_254, %select_n3A_274 : vector<16xf32>
        %add3A_276 = arith.constant 48 : i32
        %add3A_277 = arith.addi %mul3A_217, %add3A_276 : i32
        %get3A_278 = arith.constant 1 : i32
        %get3A_279 = arith.index_cast %get3A_278 : i32 to index
        %get3A_280 = arith.index_cast %add3A_277 : i32 to index
        %get3A_281 = tpu.vector_load %arg6[%get3A_279, %get3A_280] {strides = array<i32>} : memref<2x2048xi32, #tpu.memory_space<vmem>>, vector<16xi32>,
        %get3A_282 = arith.constant 1 : i32
        %get3A_283 = arith.index_cast %get3A_282 : i32 to index
        %get3A_284 = arith.index_cast %add3A_277 : i32 to index
        %get3A_285 = tpu.vector_load %arg7[%get3A_283, %get3A_284] {strides = array<i32>} : memref<2x2048xf32, #tpu.memory_space<vmem>>, vector<16xf32>,
        %exp3A_286 = math.exp %get3A_285 : vector<16xf32>
        %ge3A_287 = arith.constant 8192 : i32
        %ge3A_288 = vector.broadcast %ge3A_287 : i32 to vector<16xi32>
        %ge3A_289 = arith.cmpi sge, %get3A_281, %ge3A_288 : vector<16xi32>
        tpu.vector_store_idx %arg8[%get3A_281], %exp3A_286 {add = true} : memref<16384xf32, #tpu.memory_space<vmem>>[vector<16xi32>], vector<16xf32>,
        %add3A_290 = arith.constant 4096 : i32
        %add3A_291 = vector.broadcast %add3A_290 : i32 to vector<16xi32>
        %add3A_292 = arith.addi %get3A_281, %add3A_291 : vector<16xi32>
        tpu.vector_store_idx %arg8[%add3A_292], %broadcast_in_dim3A_18 masked %ge3A_289 {add = true} : memref<16384xf32, #tpu.memory_space<vmem>>[vector<16xi32>], vector<16xf32>, vector<16xi1>
        %jit3A_293 = arith.constant 0.000000e+00 : f32
        %broadcast_in_dim3A_294 = vector.broadcast %jit3A_293 : f32 to vector<16xf32>
        %select_n3A_295 = arith.select %ge3A_289, %get3A_285, %broadcast_in_dim3A_294 : vector<16xi1>, vector<16xf32>
        %add3A_296 = arith.addf %add3A_275, %select_n3A_295 : vector<16xf32>
        scf.yield %add3A_296 : vector<16xf32>
      }
      %scan3A_188 = arith.constant 32 : i32
      %add3A_189 = arith.constant 1 : i32
      %add3A_190 = arith.addi %mul3A_115, %add3A_189 : i32
      %add3A_191 = arith.constant 2 : i32
      %add3A_192 = arith.addi %add3A_190, %add3A_191 : i32
      %mul3A_193 = arith.constant 2048 : i32
      %mul3A_194 = arith.muli %add3A_192, %mul3A_193 : i32
      %add3A_195 = arith.addi %mul3A_2, %mul3A_194 : i32
      %dma_start3A_196 = arith.constant 1 : i32
      %dma_start3A_197 = arith.constant 0 : i32
      %dma_start3A_198 = tpu.memref_slice %arg6[%dma_start3A_196, %dma_start3A_197] : memref<2x2048xi32, #tpu.memory_space<vmem>> -> memref<1x2048xi32, #tpu.memory_space<vmem>>
      %dma_start3A_199 = tpu.memref_squeeze %dma_start3A_198 : memref<1x2048xi32, #tpu.memory_space<vmem>> -> memref<2048xi32, #tpu.memory_space<vmem>>
      %dma_start3A_200 = tpu.memref_slice %arg2[%add3A_195] : memref<1048576xi32, #tpu.memory_space<hbm>> -> memref<2048xi32, #tpu.memory_space<hbm>>
      %dma_start3A_201 = arith.constant 0 : i32
      %dma_start3A_202 = tpu.memref_slice %arg6[%dma_start3A_196, %dma_start3A_201] : memref<2x2048xi32, #tpu.memory_space<vmem>> -> memref<1x2048xi32, #tpu.memory_space<vmem>>
      %dma_start3A_203 = tpu.memref_squeeze %dma_start3A_202 : memref<1x2048xi32, #tpu.memory_space<vmem>> -> memref<2048xi32, #tpu.memory_space<vmem>>
      %dma_start3A_204 = tpu.memref_slice %arg2[%add3A_195] : memref<1048576xi32, #tpu.memory_space<hbm>> -> memref<2048xi32, #tpu.memory_space<hbm>>
      tpu.enqueue_dma source(%dma_start3A_204 : memref<2048xi32, #tpu.memory_space<hbm>>) target(%dma_start3A_203 : memref<2048xi32, #tpu.memory_space<vmem>>) target_semaphore(%arg11 : memref<!tpu.dma_semaphore, #tpu.memory_space<semaphore_mem>>)
      %dma_start3A_205 = arith.constant 1 : i32
      %dma_start3A_206 = arith.constant 0 : i32
      %dma_start3A_207 = tpu.memref_slice %arg7[%dma_start3A_205, %dma_start3A_206] : memref<2x2048xf32, #tpu.memory_space<vmem>> -> memref<1x2048xf32, #tpu.memory_space<vmem>>
      %dma_start3A_208 = tpu.memref_squeeze %dma_start3A_207 : memref<1x2048xf32, #tpu.memory_space<vmem>> -> memref<2048xf32, #tpu.memory_space<vmem>>
      %dma_start3A_209 = tpu.memref_slice %arg3[%add3A_195] : memref<1048576xf32, #tpu.memory_space<hbm>> -> memref<2048xf32, #tpu.memory_space<hbm>>
      %dma_start3A_210 = arith.constant 0 : i32
      %dma_start3A_211 = tpu.memref_slice %arg7[%dma_start3A_205, %dma_start3A_210] : memref<2x2048xf32, #tpu.memory_space<vmem>> -> memref<1x2048xf32, #tpu.memory_space<vmem>>
      %dma_start3A_212 = tpu.memref_squeeze %dma_start3A_211 : memref<1x2048xf32, #tpu.memory_space<vmem>> -> memref<2048xf32, #tpu.memory_space<vmem>>
      %dma_start3A_213 = tpu.memref_slice %arg3[%add3A_195] : memref<1048576xf32, #tpu.memory_space<hbm>> -> memref<2048xf32, #tpu.memory_space<hbm>>
      tpu.enqueue_dma source(%dma_start3A_213 : memref<2048xf32, #tpu.memory_space<hbm>>) target(%dma_start3A_212 : memref<2048xf32, #tpu.memory_space<vmem>>) target_semaphore(%arg11 : memref<!tpu.dma_semaphore, #tpu.memory_space<semaphore_mem>>)
      scf.yield %scan3A_187 : vector<16xf32>
    }
    %scan3A_63 = arith.constant 7 : i32
    %dma_wait3A = arith.constant 0 : i32
    %dma_wait3A_64 = arith.constant 0 : i32
    %dma_wait3A_65 = tpu.memref_slice %arg6[%dma_wait3A, %dma_wait3A_64] : memref<2x2048xi32, #tpu.memory_space<vmem>> -> memref<1x2048xi32, #tpu.memory_space<vmem>>
    %dma_wait3A_66 = tpu.memref_squeeze %dma_wait3A_65 : memref<1x2048xi32, #tpu.memory_space<vmem>> -> memref<2048xi32, #tpu.memory_space<vmem>>
    %dma_wait3A_67 = tpu.memref_slice %arg2[%mul3A_2] : memref<1048576xi32, #tpu.memory_space<hbm>> -> memref<2048xi32, #tpu.memory_space<hbm>>
    %dma_wait3A_68 = arith.constant 0 : i32
    %dma_wait3A_69 = tpu.memref_slice %arg6[%dma_wait3A, %dma_wait3A_68] : memref<2x2048xi32, #tpu.memory_space<vmem>> -> memref<1x2048xi32, #tpu.memory_space<vmem>>
    %dma_wait3A_70 = tpu.memref_squeeze %dma_wait3A_69 : memref<1x2048xi32, #tpu.memory_space<vmem>> -> memref<2048xi32, #tpu.memory_space<vmem>>
    %dma_wait3A_71 = tpu.memref_slice %arg2[%mul3A_2] : memref<1048576xi32, #tpu.memory_space<hbm>> -> memref<2048xi32, #tpu.memory_space<hbm>>
    tpu.wait_dma2 semaphore(%arg10 : memref<!tpu.dma_semaphore, #tpu.memory_space<semaphore_mem>>) src(%dma_wait3A_71 : memref<2048xi32, #tpu.memory_space<hbm>>) dst(%dma_wait3A_70 : memref<2048xi32, #tpu.memory_space<vmem>>)
    %dma_wait3A_72 = arith.constant 0 : i32
    %dma_wait3A_73 = arith.constant 0 : i32
    %dma_wait3A_74 = tpu.memref_slice %arg7[%dma_wait3A_72, %dma_wait3A_73] : memref<2x2048xf32, #tpu.memory_space<vmem>> -> memref<1x2048xf32, #tpu.memory_space<vmem>>
    %dma_wait3A_75 = tpu.memref_squeeze %dma_wait3A_74 : memref<1x2048xf32, #tpu.memory_space<vmem>> -> memref<2048xf32, #tpu.memory_space<vmem>>
    %dma_wait3A_76 = tpu.memref_slice %arg3[%mul3A_2] : memref<1048576xf32, #tpu.memory_space<hbm>> -> memref<2048xf32, #tpu.memory_space<hbm>>
    %dma_wait3A_77 = arith.constant 0 : i32
    %dma_wait3A_78 = tpu.memref_slice %arg7[%dma_wait3A_72, %dma_wait3A_77] : memref<2x2048xf32, #tpu.memory_space<vmem>> -> memref<1x2048xf32, #tpu.memory_space<vmem>>
    %dma_wait3A_79 = tpu.memref_squeeze %dma_wait3A_78 : memref<1x2048xf32, #tpu.memory_space<vmem>> -> memref<2048xf32, #tpu.memory_space<vmem>>
    %dma_wait3A_80 = tpu.memref_slice %arg3[%mul3A_2] : memref<1048576xf32, #tpu.memory_space<hbm>> -> memref<2048xf32, #tpu.memory_space<hbm>>
    tpu.wait_dma2 semaphore(%arg10 : memref<!tpu.dma_semaphore, #tpu.memory_space<semaphore_mem>>) src(%dma_wait3A_80 : memref<2048xf32, #tpu.memory_space<hbm>>) dst(%dma_wait3A_79 : memref<2048xf32, #tpu.memory_space<vmem>>)
    %scan3A_81 = arith.constant 0 : i32
    %scan3A_82 = arith.constant 32 : i32
    %scan3A_83 = arith.addi %scan3A_81, %scan3A_82 : i32
    %scan3A_84 = arith.constant 1 : i32
    %scan3A_85 = scf.for %scan3A_112 = %scan3A_81 to %scan3A_83 step %scan3A_84 iter_args(%scan3A_113 = %scan3A_62) -> (vector<16xf32>)  : i32 {
      %mul3A_114 = arith.constant 64 : i32
      %mul3A_115 = arith.muli %scan3A_112, %mul3A_114 : i32
      %add3A_116 = arith.constant 0 : i32
      %add3A_117 = arith.addi %mul3A_115, %add3A_116 : i32
      %get3A = arith.constant 0 : i32
      %get3A_118 = arith.index_cast %get3A : i32 to index
      %get3A_119 = arith.index_cast %add3A_117 : i32 to index
      %get3A_120 = tpu.vector_load %arg6[%get3A_118, %get3A_119] {strides = array<i32>} : memref<2x2048xi32, #tpu.memory_space<vmem>>, vector<16xi32>,
      %get3A_121 = arith.constant 0 : i32
      %get3A_122 = arith.index_cast %get3A_121 : i32 to index
      %get3A_123 = arith.index_cast %add3A_117 : i32 to index
      %get3A_124 = tpu.vector_load %arg7[%get3A_122, %get3A_123] {strides = array<i32>} : memref<2x2048xf32, #tpu.memory_space<vmem>>, vector<16xf32>,
      %exp3A = math.exp %get3A_124 : vector<16xf32>
      %ge3A = arith.constant 8192 : i32
      %ge3A_125 = vector.broadcast %ge3A : i32 to vector<16xi32>
      %ge3A_126 = arith.cmpi sge, %get3A_120, %ge3A_125 : vector<16xi32>
      tpu.vector_store_idx %arg8[%get3A_120], %exp3A {add = true} : memref<16384xf32, #tpu.memory_space<vmem>>[vector<16xi32>], vector<16xf32>,
      %add3A_127 = arith.constant 4096 : i32
      %add3A_128 = vector.broadcast %add3A_127 : i32 to vector<16xi32>
      %add3A_129 = arith.addi %get3A_120, %add3A_128 : vector<16xi32>
      tpu.vector_store_idx %arg8[%add3A_129], %broadcast_in_dim3A_18 masked %ge3A_126 {add = true} : memref<16384xf32, #tpu.memory_space<vmem>>[vector<16xi32>], vector<16xf32>, vector<16xi1>
      %jit3A = arith.constant 0.000000e+00 : f32
      %broadcast_in_dim3A_130 = vector.broadcast %jit3A : f32 to vector<16xf32>
      %select_n3A = arith.select %ge3A_126, %get3A_124, %broadcast_in_dim3A_130 : vector<16xi1>, vector<16xf32>
      %add3A_131 = arith.addf %scan3A_113, %select_n3A : vector<16xf32>
      %add3A_132 = arith.constant 16 : i32
      %add3A_133 = arith.addi %mul3A_115, %add3A_132 : i32
      %get3A_134 = arith.constant 0 : i32
      %get3A_135 = arith.index_cast %get3A_134 : i32 to index
      %get3A_136 = arith.index_cast %add3A_133 : i32 to index
      %get3A_137 = tpu.vector_load %arg6[%get3A_135, %get3A_136] {strides = array<i32>} : memref<2x2048xi32, #tpu.memory_space<vmem>>, vector<16xi32>,
      %get3A_138 = arith.constant 0 : i32
      %get3A_139 = arith.index_cast %get3A_138 : i32 to index
      %get3A_140 = arith.index_cast %add3A_133 : i32 to index
      %get3A_141 = tpu.vector_load %arg7[%get3A_139, %get3A_140] {strides = array<i32>} : memref<2x2048xf32, #tpu.memory_space<vmem>>, vector<16xf32>,
      %exp3A_142 = math.exp %get3A_141 : vector<16xf32>
      %ge3A_143 = arith.constant 8192 : i32
      %ge3A_144 = vector.broadcast %ge3A_143 : i32 to vector<16xi32>
      %ge3A_145 = arith.cmpi sge, %get3A_137, %ge3A_144 : vector<16xi32>
      tpu.vector_store_idx %arg8[%get3A_137], %exp3A_142 {add = true} : memref<16384xf32, #tpu.memory_space<vmem>>[vector<16xi32>], vector<16xf32>,
      %add3A_146 = arith.constant 4096 : i32
      %add3A_147 = vector.broadcast %add3A_146 : i32 to vector<16xi32>
      %add3A_148 = arith.addi %get3A_137, %add3A_147 : vector<16xi32>
      tpu.vector_store_idx %arg8[%add3A_148], %broadcast_in_dim3A_18 masked %ge3A_145 {add = true} : memref<16384xf32, #tpu.memory_space<vmem>>[vector<16xi32>], vector<16xf32>, vector<16xi1>
      %jit3A_149 = arith.constant 0.000000e+00 : f32
      %broadcast_in_dim3A_150 = vector.broadcast %jit3A_149 : f32 to vector<16xf32>
      %select_n3A_151 = arith.select %ge3A_145, %get3A_141, %broadcast_in_dim3A_150 : vector<16xi1>, vector<16xf32>
      %add3A_152 = arith.addf %add3A_131, %select_n3A_151 : vector<16xf32>
      %add3A_153 = arith.constant 32 : i32
      %add3A_154 = arith.addi %mul3A_115, %add3A_153 : i32
      %get3A_155 = arith.constant 0 : i32
      %get3A_156 = arith.index_cast %get3A_155 : i32 to index
      %get3A_157 = arith.index_cast %add3A_154 : i32 to index
      %get3A_158 = tpu.vector_load %arg6[%get3A_156, %get3A_157] {strides = array<i32>} : memref<2x2048xi32, #tpu.memory_space<vmem>>, vector<16xi32>,
      %get3A_159 = arith.constant 0 : i32
      %get3A_160 = arith.index_cast %get3A_159 : i32 to index
      %get3A_161 = arith.index_cast %add3A_154 : i32 to index
      %get3A_162 = tpu.vector_load %arg7[%get3A_160, %get3A_161] {strides = array<i32>} : memref<2x2048xf32, #tpu.memory_space<vmem>>, vector<16xf32>,
      %exp3A_163 = math.exp %get3A_162 : vector<16xf32>
      %ge3A_164 = arith.constant 8192 : i32
      %ge3A_165 = vector.broadcast %ge3A_164 : i32 to vector<16xi32>
      %ge3A_166 = arith.cmpi sge, %get3A_158, %ge3A_165 : vector<16xi32>
      tpu.vector_store_idx %arg8[%get3A_158], %exp3A_163 {add = true} : memref<16384xf32, #tpu.memory_space<vmem>>[vector<16xi32>], vector<16xf32>,
      %add3A_167 = arith.constant 4096 : i32
      %add3A_168 = vector.broadcast %add3A_167 : i32 to vector<16xi32>
      %add3A_169 = arith.addi %get3A_158, %add3A_168 : vector<16xi32>
      tpu.vector_store_idx %arg8[%add3A_169], %broadcast_in_dim3A_18 masked %ge3A_166 {add = true} : memref<16384xf32, #tpu.memory_space<vmem>>[vector<16xi32>], vector<16xf32>, vector<16xi1>
      %jit3A_170 = arith.constant 0.000000e+00 : f32
      %broadcast_in_dim3A_171 = vector.broadcast %jit3A_170 : f32 to vector<16xf32>
      %select_n3A_172 = arith.select %ge3A_166, %get3A_162, %broadcast_in_dim3A_171 : vector<16xi1>, vector<16xf32>
      %add3A_173 = arith.addf %add3A_152, %select_n3A_172 : vector<16xf32>
      %add3A_174 = arith.constant 48 : i32
      %add3A_175 = arith.addi %mul3A_115, %add3A_174 : i32
      %get3A_176 = arith.constant 0 : i32
      %get3A_177 = arith.index_cast %get3A_176 : i32 to index
      %get3A_178 = arith.index_cast %add3A_175 : i32 to index
      %get3A_179 = tpu.vector_load %arg6[%get3A_177, %get3A_178] {strides = array<i32>} : memref<2x2048xi32, #tpu.memory_space<vmem>>, vector<16xi32>,
      %get3A_180 = arith.constant 0 : i32
      %get3A_181 = arith.index_cast %get3A_180 : i32 to index
      %get3A_182 = arith.index_cast %add3A_175 : i32 to index
      %get3A_183 = tpu.vector_load %arg7[%get3A_181, %get3A_182] {strides = array<i32>} : memref<2x2048xf32, #tpu.memory_space<vmem>>, vector<16xf32>,
      %exp3A_184 = math.exp %get3A_183 : vector<16xf32>
      %ge3A_185 = arith.constant 8192 : i32
      %ge3A_186 = vector.broadcast %ge3A_185 : i32 to vector<16xi32>
      %ge3A_187 = arith.cmpi sge, %get3A_179, %ge3A_186 : vector<16xi32>
      tpu.vector_store_idx %arg8[%get3A_179], %exp3A_184 {add = true} : memref<16384xf32, #tpu.memory_space<vmem>>[vector<16xi32>], vector<16xf32>,
      %add3A_188 = arith.constant 4096 : i32
      %add3A_189 = vector.broadcast %add3A_188 : i32 to vector<16xi32>
      %add3A_190 = arith.addi %get3A_179, %add3A_189 : vector<16xi32>
      tpu.vector_store_idx %arg8[%add3A_190], %broadcast_in_dim3A_18 masked %ge3A_187 {add = true} : memref<16384xf32, #tpu.memory_space<vmem>>[vector<16xi32>], vector<16xf32>, vector<16xi1>
      %jit3A_191 = arith.constant 0.000000e+00 : f32
      %broadcast_in_dim3A_192 = vector.broadcast %jit3A_191 : f32 to vector<16xf32>
      %select_n3A_193 = arith.select %ge3A_187, %get3A_183, %broadcast_in_dim3A_192 : vector<16xi1>, vector<16xf32>
      %add3A_194 = arith.addf %add3A_173, %select_n3A_193 : vector<16xf32>
      scf.yield %add3A_194 : vector<16xf32>
    }
    %scan3A_86 = arith.constant 32 : i32
    %dma_wait3A_87 = arith.constant 1 : i32
    %dma_wait3A_88 = arith.constant 0 : i32
    %dma_wait3A_89 = tpu.memref_slice %arg6[%dma_wait3A_87, %dma_wait3A_88] : memref<2x2048xi32, #tpu.memory_space<vmem>> -> memref<1x2048xi32, #tpu.memory_space<vmem>>
    %dma_wait3A_90 = tpu.memref_squeeze %dma_wait3A_89 : memref<1x2048xi32, #tpu.memory_space<vmem>> -> memref<2048xi32, #tpu.memory_space<vmem>>
    %dma_wait3A_91 = tpu.memref_slice %arg2[%mul3A_2] : memref<1048576xi32, #tpu.memory_space<hbm>> -> memref<2048xi32, #tpu.memory_space<hbm>>
    %dma_wait3A_92 = arith.constant 0 : i32
    %dma_wait3A_93 = tpu.memref_slice %arg6[%dma_wait3A_87, %dma_wait3A_92] : memref<2x2048xi32, #tpu.memory_space<vmem>> -> memref<1x2048xi32, #tpu.memory_space<vmem>>
    %dma_wait3A_94 = tpu.memref_squeeze %dma_wait3A_93 : memref<1x2048xi32, #tpu.memory_space<vmem>> -> memref<2048xi32, #tpu.memory_space<vmem>>
    %dma_wait3A_95 = tpu.memref_slice %arg2[%mul3A_2] : memref<1048576xi32, #tpu.memory_space<hbm>> -> memref<2048xi32, #tpu.memory_space<hbm>>
    tpu.wait_dma2 semaphore(%arg11 : memref<!tpu.dma_semaphore, #tpu.memory_space<semaphore_mem>>) src(%dma_wait3A_95 : memref<2048xi32, #tpu.memory_space<hbm>>) dst(%dma_wait3A_94 : memref<2048xi32, #tpu.memory_space<vmem>>)
    %dma_wait3A_96 = arith.constant 1 : i32
    %dma_wait3A_97 = arith.constant 0 : i32
    %dma_wait3A_98 = tpu.memref_slice %arg7[%dma_wait3A_96, %dma_wait3A_97] : memref<2x2048xf32, #tpu.memory_space<vmem>> -> memref<1x2048xf32, #tpu.memory_space<vmem>>
    %dma_wait3A_99 = tpu.memref_squeeze %dma_wait3A_98 : memref<1x2048xf32, #tpu.memory_space<vmem>> -> memref<2048xf32, #tpu.memory_space<vmem>>
    %dma_wait3A_100 = tpu.memref_slice %arg3[%mul3A_2] : memref<1048576xf32, #tpu.memory_space<hbm>> -> memref<2048xf32, #tpu.memory_space<hbm>>
    %dma_wait3A_101 = arith.constant 0 : i32
    %dma_wait3A_102 = tpu.memref_slice %arg7[%dma_wait3A_96, %dma_wait3A_101] : memref<2x2048xf32, #tpu.memory_space<vmem>> -> memref<1x2048xf32, #tpu.memory_space<vmem>>
    %dma_wait3A_103 = tpu.memref_squeeze %dma_wait3A_102 : memref<1x2048xf32, #tpu.memory_space<vmem>> -> memref<2048xf32, #tpu.memory_space<vmem>>
    %dma_wait3A_104 = tpu.memref_slice %arg3[%mul3A_2] : memref<1048576xf32, #tpu.memory_space<hbm>> -> memref<2048xf32, #tpu.memory_space<hbm>>
    tpu.wait_dma2 semaphore(%arg11 : memref<!tpu.dma_semaphore, #tpu.memory_space<semaphore_mem>>) src(%dma_wait3A_104 : memref<2048xf32, #tpu.memory_space<hbm>>) dst(%dma_wait3A_103 : memref<2048xf32, #tpu.memory_space<vmem>>)
    %scan3A_105 = arith.constant 0 : i32
    %scan3A_106 = arith.constant 32 : i32
    %scan3A_107 = arith.addi %scan3A_105, %scan3A_106 : i32
    %scan3A_108 = arith.constant 1 : i32
    %scan3A_109 = scf.for %scan3A_112 = %scan3A_105 to %scan3A_107 step %scan3A_108 iter_args(%scan3A_113 = %scan3A_85) -> (vector<16xf32>)  : i32 {
      %mul3A_114 = arith.constant 64 : i32
      %mul3A_115 = arith.muli %scan3A_112, %mul3A_114 : i32
      %add3A_116 = arith.constant 0 : i32
      %add3A_117 = arith.addi %mul3A_115, %add3A_116 : i32
      %get3A = arith.constant 1 : i32
      %get3A_118 = arith.index_cast %get3A : i32 to index
      %get3A_119 = arith.index_cast %add3A_117 : i32 to index
      %get3A_120 = tpu.vector_load %arg6[%get3A_118, %get3A_119] {strides = array<i32>} : memref<2x2048xi32, #tpu.memory_space<vmem>>, vector<16xi32>,
      %get3A_121 = arith.constant 1 : i32
      %get3A_122 = arith.index_cast %get3A_121 : i32 to index
      %get3A_123 = arith.index_cast %add3A_117 : i32 to index
      %get3A_124 = tpu.vector_load %arg7[%get3A_122, %get3A_123] {strides = array<i32>} : memref<2x2048xf32, #tpu.memory_space<vmem>>, vector<16xf32>,
      %exp3A = math.exp %get3A_124 : vector<16xf32>
      %ge3A = arith.constant 8192 : i32
      %ge3A_125 = vector.broadcast %ge3A : i32 to vector<16xi32>
      %ge3A_126 = arith.cmpi sge, %get3A_120, %ge3A_125 : vector<16xi32>
      tpu.vector_store_idx %arg8[%get3A_120], %exp3A {add = true} : memref<16384xf32, #tpu.memory_space<vmem>>[vector<16xi32>], vector<16xf32>,
      %add3A_127 = arith.constant 4096 : i32
      %add3A_128 = vector.broadcast %add3A_127 : i32 to vector<16xi32>
      %add3A_129 = arith.addi %get3A_120, %add3A_128 : vector<16xi32>
      tpu.vector_store_idx %arg8[%add3A_129], %broadcast_in_dim3A_18 masked %ge3A_126 {add = true} : memref<16384xf32, #tpu.memory_space<vmem>>[vector<16xi32>], vector<16xf32>, vector<16xi1>
      %jit3A = arith.constant 0.000000e+00 : f32
      %broadcast_in_dim3A_130 = vector.broadcast %jit3A : f32 to vector<16xf32>
      %select_n3A = arith.select %ge3A_126, %get3A_124, %broadcast_in_dim3A_130 : vector<16xi1>, vector<16xf32>
      %add3A_131 = arith.addf %scan3A_113, %select_n3A : vector<16xf32>
      %add3A_132 = arith.constant 16 : i32
      %add3A_133 = arith.addi %mul3A_115, %add3A_132 : i32
      %get3A_134 = arith.constant 1 : i32
      %get3A_135 = arith.index_cast %get3A_134 : i32 to index
      %get3A_136 = arith.index_cast %add3A_133 : i32 to index
      %get3A_137 = tpu.vector_load %arg6[%get3A_135, %get3A_136] {strides = array<i32>} : memref<2x2048xi32, #tpu.memory_space<vmem>>, vector<16xi32>,
      %get3A_138 = arith.constant 1 : i32
      %get3A_139 = arith.index_cast %get3A_138 : i32 to index
      %get3A_140 = arith.index_cast %add3A_133 : i32 to index
      %get3A_141 = tpu.vector_load %arg7[%get3A_139, %get3A_140] {strides = array<i32>} : memref<2x2048xf32, #tpu.memory_space<vmem>>, vector<16xf32>,
      %exp3A_142 = math.exp %get3A_141 : vector<16xf32>
      %ge3A_143 = arith.constant 8192 : i32
      %ge3A_144 = vector.broadcast %ge3A_143 : i32 to vector<16xi32>
      %ge3A_145 = arith.cmpi sge, %get3A_137, %ge3A_144 : vector<16xi32>
      tpu.vector_store_idx %arg8[%get3A_137], %exp3A_142 {add = true} : memref<16384xf32, #tpu.memory_space<vmem>>[vector<16xi32>], vector<16xf32>,
      %add3A_146 = arith.constant 4096 : i32
      %add3A_147 = vector.broadcast %add3A_146 : i32 to vector<16xi32>
      %add3A_148 = arith.addi %get3A_137, %add3A_147 : vector<16xi32>
      tpu.vector_store_idx %arg8[%add3A_148], %broadcast_in_dim3A_18 masked %ge3A_145 {add = true} : memref<16384xf32, #tpu.memory_space<vmem>>[vector<16xi32>], vector<16xf32>, vector<16xi1>
      %jit3A_149 = arith.constant 0.000000e+00 : f32
      %broadcast_in_dim3A_150 = vector.broadcast %jit3A_149 : f32 to vector<16xf32>
      %select_n3A_151 = arith.select %ge3A_145, %get3A_141, %broadcast_in_dim3A_150 : vector<16xi1>, vector<16xf32>
      %add3A_152 = arith.addf %add3A_131, %select_n3A_151 : vector<16xf32>
      %add3A_153 = arith.constant 32 : i32
      %add3A_154 = arith.addi %mul3A_115, %add3A_153 : i32
      %get3A_155 = arith.constant 1 : i32
      %get3A_156 = arith.index_cast %get3A_155 : i32 to index
      %get3A_157 = arith.index_cast %add3A_154 : i32 to index
      %get3A_158 = tpu.vector_load %arg6[%get3A_156, %get3A_157] {strides = array<i32>} : memref<2x2048xi32, #tpu.memory_space<vmem>>, vector<16xi32>,
      %get3A_159 = arith.constant 1 : i32
      %get3A_160 = arith.index_cast %get3A_159 : i32 to index
      %get3A_161 = arith.index_cast %add3A_154 : i32 to index
      %get3A_162 = tpu.vector_load %arg7[%get3A_160, %get3A_161] {strides = array<i32>} : memref<2x2048xf32, #tpu.memory_space<vmem>>, vector<16xf32>,
      %exp3A_163 = math.exp %get3A_162 : vector<16xf32>
      %ge3A_164 = arith.constant 8192 : i32
      %ge3A_165 = vector.broadcast %ge3A_164 : i32 to vector<16xi32>
      %ge3A_166 = arith.cmpi sge, %get3A_158, %ge3A_165 : vector<16xi32>
      tpu.vector_store_idx %arg8[%get3A_158], %exp3A_163 {add = true} : memref<16384xf32, #tpu.memory_space<vmem>>[vector<16xi32>], vector<16xf32>,
      %add3A_167 = arith.constant 4096 : i32
      %add3A_168 = vector.broadcast %add3A_167 : i32 to vector<16xi32>
      %add3A_169 = arith.addi %get3A_158, %add3A_168 : vector<16xi32>
      tpu.vector_store_idx %arg8[%add3A_169], %broadcast_in_dim3A_18 masked %ge3A_166 {add = true} : memref<16384xf32, #tpu.memory_space<vmem>>[vector<16xi32>], vector<16xf32>, vector<16xi1>
      %jit3A_170 = arith.constant 0.000000e+00 : f32
      %broadcast_in_dim3A_171 = vector.broadcast %jit3A_170 : f32 to vector<16xf32>
      %select_n3A_172 = arith.select %ge3A_166, %get3A_162, %broadcast_in_dim3A_171 : vector<16xi1>, vector<16xf32>
      %add3A_173 = arith.addf %add3A_152, %select_n3A_172 : vector<16xf32>
      %add3A_174 = arith.constant 48 : i32
      %add3A_175 = arith.addi %mul3A_115, %add3A_174 : i32
      %get3A_176 = arith.constant 1 : i32
      %get3A_177 = arith.index_cast %get3A_176 : i32 to index
      %get3A_178 = arith.index_cast %add3A_175 : i32 to index
      %get3A_179 = tpu.vector_load %arg6[%get3A_177, %get3A_178] {strides = array<i32>} : memref<2x2048xi32, #tpu.memory_space<vmem>>, vector<16xi32>,
      %get3A_180 = arith.constant 1 : i32
      %get3A_181 = arith.index_cast %get3A_180 : i32 to index
      %get3A_182 = arith.index_cast %add3A_175 : i32 to index
      %get3A_183 = tpu.vector_load %arg7[%get3A_181, %get3A_182] {strides = array<i32>} : memref<2x2048xf32, #tpu.memory_space<vmem>>, vector<16xf32>,
      %exp3A_184 = math.exp %get3A_183 : vector<16xf32>
      %ge3A_185 = arith.constant 8192 : i32
      %ge3A_186 = vector.broadcast %ge3A_185 : i32 to vector<16xi32>
      %ge3A_187 = arith.cmpi sge, %get3A_179, %ge3A_186 : vector<16xi32>
      tpu.vector_store_idx %arg8[%get3A_179], %exp3A_184 {add = true} : memref<16384xf32, #tpu.memory_space<vmem>>[vector<16xi32>], vector<16xf32>,
      %add3A_188 = arith.constant 4096 : i32
      %add3A_189 = vector.broadcast %add3A_188 : i32 to vector<16xi32>
      %add3A_190 = arith.addi %get3A_179, %add3A_189 : vector<16xi32>
      tpu.vector_store_idx %arg8[%add3A_190], %broadcast_in_dim3A_18 masked %ge3A_187 {add = true} : memref<16384xf32, #tpu.memory_space<vmem>>[vector<16xi32>], vector<16xf32>, vector<16xi1>
      %jit3A_191 = arith.constant 0.000000e+00 : f32
      %broadcast_in_dim3A_192 = vector.broadcast %jit3A_191 : f32 to vector<16xf32>
      %select_n3A_193 = arith.select %ge3A_187, %get3A_183, %broadcast_in_dim3A_192 : vector<16xi1>, vector<16xf32>
      %add3A_194 = arith.addf %add3A_173, %select_n3A_193 : vector<16xf32>
      scf.yield %add3A_194 : vector<16xf32>
    }
    %scan3A_110 = arith.constant 32 : i32
    %swap3A = arith.constant 0 : index
    %swap3A_111 = tpu.vector_load %arg9[%swap3A] {strides = array<i32>} : memref<16xf32, #tpu.memory_space<vmem>>, vector<16xf32>,
    tpu.vector_store %arg9[%swap3A], %scan3A_109 {strides = array<i32>} : memref<16xf32, #tpu.memory_space<vmem>>, vector<16xf32>,
    "tpu.region"() ({
      %run_scoped3A = tpu.sem_alloc : memref<!tpu.dma_semaphore, #tpu.memory_space<semaphore_mem>>
      %dma_start3A_112 = arith.constant 0 : i32
      %dma_start3A_113 = tpu.memref_slice %arg4[%add3A, %dma_start3A_112] : memref<32x16384xf32, #tpu.memory_space<hbm>> -> memref<1x16384xf32, #tpu.memory_space<hbm>>
      %dma_start3A_114 = tpu.memref_squeeze %dma_start3A_113 : memref<1x16384xf32, #tpu.memory_space<hbm>> -> memref<16384xf32, #tpu.memory_space<hbm>>
      %dma_start3A_115 = arith.constant 0 : i32
      %dma_start3A_116 = tpu.memref_slice %arg4[%add3A, %dma_start3A_115] : memref<32x16384xf32, #tpu.memory_space<hbm>> -> memref<1x16384xf32, #tpu.memory_space<hbm>>
      %dma_start3A_117 = tpu.memref_squeeze %dma_start3A_116 : memref<1x16384xf32, #tpu.memory_space<hbm>> -> memref<16384xf32, #tpu.memory_space<hbm>>
      tpu.enqueue_dma source(%arg8 : memref<16384xf32, #tpu.memory_space<vmem>>) target(%dma_start3A_117 : memref<16384xf32, #tpu.memory_space<hbm>>) target_semaphore(%run_scoped3A : memref<!tpu.dma_semaphore, #tpu.memory_space<semaphore_mem>>)
      %dma_wait3A_118 = arith.constant 0 : i32
      %dma_wait3A_119 = tpu.memref_slice %arg4[%add3A, %dma_wait3A_118] : memref<32x16384xf32, #tpu.memory_space<hbm>> -> memref<1x16384xf32, #tpu.memory_space<hbm>>
      %dma_wait3A_120 = tpu.memref_squeeze %dma_wait3A_119 : memref<1x16384xf32, #tpu.memory_space<hbm>> -> memref<16384xf32, #tpu.memory_space<hbm>>
      %dma_wait3A_121 = arith.constant 0 : i32
      %dma_wait3A_122 = tpu.memref_slice %arg4[%add3A, %dma_wait3A_121] : memref<32x16384xf32, #tpu.memory_space<hbm>> -> memref<1x16384xf32, #tpu.memory_space<hbm>>
      %dma_wait3A_123 = tpu.memref_squeeze %dma_wait3A_122 : memref<1x16384xf32, #tpu.memory_space<hbm>> -> memref<16384xf32, #tpu.memory_space<hbm>>
      tpu.wait_dma2 semaphore(%run_scoped3A : memref<!tpu.dma_semaphore, #tpu.memory_space<semaphore_mem>>) src(%arg8 : memref<16384xf32, #tpu.memory_space<vmem>>) dst(%dma_wait3A_123 : memref<16384xf32, #tpu.memory_space<hbm>>)
      tpu.yield
    }) : () -> ()
    "tpu.region"() ({
      %run_scoped3A = tpu.sem_alloc : memref<!tpu.dma_semaphore, #tpu.memory_space<semaphore_mem>>
      %dma_start3A_112 = arith.constant 0 : i32
      %dma_start3A_113 = tpu.memref_slice %arg5[%add3A, %dma_start3A_112] : memref<32x16xf32, #tpu.memory_space<hbm>> -> memref<1x16xf32, #tpu.memory_space<hbm>>
      %dma_start3A_114 = tpu.memref_squeeze %dma_start3A_113 : memref<1x16xf32, #tpu.memory_space<hbm>> -> memref<16xf32, #tpu.memory_space<hbm>>
      %dma_start3A_115 = arith.constant 0 : i32
      %dma_start3A_116 = tpu.memref_slice %arg5[%add3A, %dma_start3A_115] : memref<32x16xf32, #tpu.memory_space<hbm>> -> memref<1x16xf32, #tpu.memory_space<hbm>>
      %dma_start3A_117 = tpu.memref_squeeze %dma_start3A_116 : memref<1x16xf32, #tpu.memory_space<hbm>> -> memref<16xf32, #tpu.memory_space<hbm>>
      tpu.enqueue_dma source(%arg9 : memref<16xf32, #tpu.memory_space<vmem>>) target(%dma_start3A_117 : memref<16xf32, #tpu.memory_space<hbm>>) target_semaphore(%run_scoped3A : memref<!tpu.dma_semaphore, #tpu.memory_space<semaphore_mem>>)
      %dma_wait3A_118 = arith.constant 0 : i32
      %dma_wait3A_119 = tpu.memref_slice %arg5[%add3A, %dma_wait3A_118] : memref<32x16xf32, #tpu.memory_space<hbm>> -> memref<1x16xf32, #tpu.memory_space<hbm>>
      %dma_wait3A_120 = tpu.memref_squeeze %dma_wait3A_119 : memref<1x16xf32, #tpu.memory_space<hbm>> -> memref<16xf32, #tpu.memory_space<hbm>>
      %dma_wait3A_121 = arith.constant 0 : i32
      %dma_wait3A_122 = tpu.memref_slice %arg5[%add3A, %dma_wait3A_121] : memref<32x16xf32, #tpu.memory_space<hbm>> -> memref<1x16xf32, #tpu.memory_space<hbm>>
      %dma_wait3A_123 = tpu.memref_squeeze %dma_wait3A_122 : memref<1x16xf32, #tpu.memory_space<hbm>> -> memref<16xf32, #tpu.memory_space<hbm>>
      tpu.wait_dma2 semaphore(%run_scoped3A : memref<!tpu.dma_semaphore, #tpu.memory_space<semaphore_mem>>) src(%arg9 : memref<16xf32, #tpu.memory_space<vmem>>) dst(%dma_wait3A_123 : memref<16xf32, #tpu.memory_space<hbm>>)
      tpu.yield
    }) : () -> ()
    return
  }
}

module attributes {stable_mosaic.version = 14 : i64} {
  func.func @body(%arg0: memref<32x128x128xf32, #tpu.memory_space<vmem>>, %arg1: memref<32x16xf32, #tpu.memory_space<vmem>>, %arg2: memref<8x128xf32, #tpu.memory_space<vmem>>) attributes {dimension_semantics = [], scalar_prefetch = 0 : i64, scratch_operands = 0 : i64, tpu.core_type = #tpu.core_type<tc>} {
    %get3A = arith.constant 0 : index
    %get3A_0 = arith.constant 0 : index
    %get3A_1 = arith.constant 0 : index
    %get3A_2 = vector.load %arg0[%get3A, %get3A_0, %get3A_1] : memref<32x128x128xf32, #tpu.memory_space<vmem>>, vector<32x128x128xf32>
    %reduce_sum3A = arith.constant dense<0.000000e+00> : vector<128x128xf32>
    %reduce_sum3A_3 = vector.multi_reduction <add>, %get3A_2, %reduce_sum3A [0] : vector<32x128x128xf32> to vector<128x128xf32>
    %slice3A = vector.extract_strided_slice %reduce_sum3A_3 {offsets = [96, 0], sizes = [32, 128], strides = [1, 1]} : vector<128x128xf32> to vector<32x128xf32>
    %get3A_4 = arith.constant 0 : index
    %get3A_5 = arith.constant 0 : index
    %get3A_6 = vector.load %arg1[%get3A_4, %get3A_5] : memref<32x16xf32, #tpu.memory_space<vmem>>, vector<32x16xf32>
    %reduce_sum3A_7 = vector.shape_cast %get3A_6 : vector<32x16xf32> to vector<1x32x16xf32>
    %reduce_sum3A_8 = arith.constant dense<0.000000e+00> : vector<1xf32>
    %reduce_sum3A_9 = vector.multi_reduction <add>, %reduce_sum3A_7, %reduce_sum3A_8 [1, 2] : vector<1x32x16xf32> to vector<1xf32>
    %reduce_sum3A_10 = vector.shape_cast %reduce_sum3A_9 : vector<1xf32> to vector<1x1x1xf32>
    %reduce_sum3A_11 = vector.extract %reduce_sum3A_10[0, 0, 0] : f32 from vector<1x1x1xf32>
    %slice3A_12 = vector.extract_strided_slice %reduce_sum3A_3 {offsets = [64, 0], sizes = [32, 128], strides = [1, 1]} : vector<128x128xf32> to vector<32x128xf32>
    %slice3A_13 = vector.extract_strided_slice %reduce_sum3A_3 {offsets = [0, 0], sizes = [32, 128], strides = [1, 1]} : vector<128x128xf32> to vector<32x128xf32>
    %add3A = arith.addf %slice3A_13, %slice3A_12 : vector<32x128xf32>
    %iota3A = tpu.iota {dimensions = array<i32: 0>} : vector<128x128xi32>
    %iota3A_14 = tpu.iota {dimensions = array<i32: 1>} : vector<128x128xi32>
    %le3A = arith.cmpi sle, %iota3A, %iota3A_14 : vector<128x128xi32>
    %convert_element_type3A = arith.extui %le3A : vector<128x128xi1> to vector<128x128xi32>
    %convert_element_type3A_15 = arith.sitofp %convert_element_type3A : vector<128x128xi32> to vector<128x128xf32>
    %dot_general3A = arith.constant dense<0.000000e+00> : vector<32x128xf32>
    %dot_general3A_16 = tpu.matmul %add3A, %convert_element_type3A_15, %dot_general3A {dimension_numbers = #tpu.dot_dimension_numbers<[1], [0], [0], [1], [0, 0, 1, 1], [], []>, precision = #tpu.contract_precision<fp32>, transpose_lhs_hint = false} : vector<32x128xf32>, vector<128x128xf32>, vector<32x128xf32> -> vector<32x128xf32>
    %slice3A_17 = vector.extract_strided_slice %dot_general3A_16 {offsets = [0, 127], sizes = [32, 1], strides = [1, 1]} : vector<32x128xf32> to vector<32x1xf32>
    %iota3A_18 = tpu.iota {dimensions = array<i32: 0>} : vector<32x32xi32>
    %iota3A_19 = tpu.iota {dimensions = array<i32: 1>} : vector<32x32xi32>
    %lt3A = arith.cmpi slt, %iota3A_18, %iota3A_19 : vector<32x32xi32>
    %convert_element_type3A_20 = arith.extui %lt3A : vector<32x32xi1> to vector<32x32xi32>
    %convert_element_type3A_21 = arith.sitofp %convert_element_type3A_20 : vector<32x32xi32> to vector<32x32xf32>
    %dot_general3A_22 = arith.constant dense<0.000000e+00> : vector<32x1xf32>
    %dot_general3A_23 = tpu.matmul %convert_element_type3A_21, %slice3A_17, %dot_general3A_22 {dimension_numbers = #tpu.dot_dimension_numbers<[0], [0], [1], [1], [0, 1, 1, 1], [], []>, precision = #tpu.contract_precision<fp32>, transpose_lhs_hint = false} : vector<32x32xf32>, vector<32x1xf32>, vector<32x1xf32> -> vector<32x1xf32>
    %add3A_24 = vector.broadcast %dot_general3A_23 : vector<32x1xf32> to vector<32x128xf32>
    %add3A_25 = arith.addf %dot_general3A_16, %add3A_24 : vector<32x128xf32>
    %reduce_sum3A_26 = vector.shape_cast %add3A : vector<32x128xf32> to vector<1x32x128xf32>
    %reduce_sum3A_27 = arith.constant dense<0.000000e+00> : vector<1xf32>
    %reduce_sum3A_28 = vector.multi_reduction <add>, %reduce_sum3A_26, %reduce_sum3A_27 [1, 2] : vector<1x32x128xf32> to vector<1xf32>
    %reduce_sum3A_29 = vector.shape_cast %reduce_sum3A_28 : vector<1xf32> to vector<1x1x1xf32>
    %reduce_sum3A_30 = vector.extract %reduce_sum3A_29[0, 0, 0] : f32 from vector<1x1x1xf32>
    %sub3A = vector.broadcast %reduce_sum3A_30 : f32 to vector<32x128xf32>
    %sub3A_31 = arith.subf %sub3A, %add3A_25 : vector<32x128xf32>
    %add3A_32 = arith.addf %sub3A_31, %add3A : vector<32x128xf32>
    %eq3A = arith.constant 1.000000e+00 : f32
    %eq3A_33 = vector.broadcast %eq3A : f32 to vector<32x128xf32>
    %eq3A_34 = arith.cmpf oeq, %slice3A, %eq3A_33 : vector<32x128xf32>
    %add3A_35 = arith.constant 9.99999996E-13 : f32
    %add3A_36 = vector.broadcast %add3A_35 : f32 to vector<32x128xf32>
    %add3A_37 = arith.addf %add3A_32, %add3A_36 : vector<32x128xf32>
    %log3A = math.log %add3A_37 : vector<32x128xf32>
    %jit3A = arith.constant 0.000000e+00 : f32
    %broadcast_in_dim3A = vector.broadcast %jit3A : f32 to vector<32x128xf32>
    %select_n3A = arith.select %eq3A_34, %log3A, %broadcast_in_dim3A : vector<32x128xi1>, vector<32x128xf32>
    %reduce_sum3A_38 = vector.shape_cast %select_n3A : vector<32x128xf32> to vector<1x32x128xf32>
    %reduce_sum3A_39 = arith.constant dense<0.000000e+00> : vector<1xf32>
    %reduce_sum3A_40 = vector.multi_reduction <add>, %reduce_sum3A_38, %reduce_sum3A_39 [1, 2] : vector<1x32x128xf32> to vector<1xf32>
    %reduce_sum3A_41 = vector.shape_cast %reduce_sum3A_40 : vector<1xf32> to vector<1x1x1xf32>
    %reduce_sum3A_42 = vector.extract %reduce_sum3A_41[0, 0, 0] : f32 from vector<1x1x1xf32>
    %max3A = arith.constant 1.000000e+00 : f32
    %max3A_43 = vector.broadcast %max3A : f32 to vector<32x128xf32>
    %max3A_44 = arith.maximumf %slice3A, %max3A_43 : vector<32x128xf32>
    %div3A = arith.constant 1.000000e+00 : f32
    %div3A_45 = vector.broadcast %div3A : f32 to vector<32x128xf32>
    %div3A_46 = arith.divf %div3A_45, %max3A_44 : vector<32x128xf32>
    %ge3A = arith.constant 2.000000e+00 : f32
    %ge3A_47 = vector.broadcast %ge3A : f32 to vector<32x128xf32>
    %ge3A_48 = arith.cmpf oge, %slice3A, %ge3A_47 : vector<32x128xf32>
    %reduce_max3A = vector.shape_cast %slice3A : vector<32x128xf32> to vector<1x32x128xf32>
    %reduce_max3A_49 = arith.constant dense<0xFF800000> : vector<1xf32>
    %reduce_max3A_50 = vector.multi_reduction <maximumf>, %reduce_max3A, %reduce_max3A_49 [1, 2] : vector<1x32x128xf32> to vector<1xf32>
    %reduce_max3A_51 = vector.shape_cast %reduce_max3A_50 : vector<1xf32> to vector<1x1x1xf32>
    %reduce_max3A_52 = vector.extract %reduce_max3A_51[0, 0, 0] : f32 from vector<1x1x1xf32>
    %div3A_53 = arith.constant 8.000000e+00 : f32
    %div3A_54 = arith.divf %reduce_max3A_52, %div3A_53 : f32
    %ceil3A = math.ceil %div3A_54 : f32
    %convert_element_type3A_55 = arith.fptosi %ceil3A : f32 to i32
    %while3A = arith.constant 0 : i32
    %while3A_56 = arith.constant 0.000000e+00 : f32
    %while3A_57 = arith.subi %convert_element_type3A_55, %while3A : i32
    %while3A_58 = arith.addi %while3A, %while3A_57 : i32
    %while3A_59 = arith.constant 1 : i32
    %while3A_60 = arith.divsi %while3A_57, %while3A_59 : i32
    %while3A_61 = arith.muli %while3A_60, %while3A_59 : i32
    %while3A_62 = arith.addi %while3A, %while3A_61 : i32
    %while3A_63 = arith.constant 1 : i32
    %while3A_64 = scf.for %while3A_80 = %while3A to %while3A_62 step %while3A_63 iter_args(%while3A_81 = %while3A_56) -> (f32)  : i32 {
      %mul3A = arith.constant 8 : i32
      %mul3A_82 = arith.muli %while3A_80, %mul3A : i32
      %add3A_83 = arith.constant 0 : i32
      %add3A_84 = arith.addi %mul3A_82, %add3A_83 : i32
      %convert_element_type3A_85 = arith.sitofp %add3A_84 : i32 to f32
      %mul3A_86 = vector.broadcast %convert_element_type3A_85 : f32 to vector<32x128xf32>
      %mul3A_87 = arith.mulf %mul3A_86, %div3A_46 : vector<32x128xf32>
      %mul3A_88 = arith.mulf %mul3A_87, %slice3A_12 : vector<32x128xf32>
      %sub3A_89 = arith.subf %add3A_32, %mul3A_88 : vector<32x128xf32>
      %max3A_90 = arith.constant 9.99999996E-13 : f32
      %max3A_91 = vector.broadcast %max3A_90 : f32 to vector<32x128xf32>
      %max3A_92 = arith.maximumf %sub3A_89, %max3A_91 : vector<32x128xf32>
      %log3A_93 = math.log %max3A_92 : vector<32x128xf32>
      %lt3A_94 = vector.broadcast %convert_element_type3A_85 : f32 to vector<32x128xf32>
      %lt3A_95 = arith.cmpf olt, %lt3A_94, %slice3A : vector<32x128xf32>
      %and3A = arith.andi %ge3A_48, %lt3A_95 : vector<32x128xi1>
      %jit3A_96 = arith.constant 0.000000e+00 : f32
      %broadcast_in_dim3A_97 = vector.broadcast %jit3A_96 : f32 to vector<32x128xf32>
      %select_n3A_98 = arith.select %and3A, %log3A_93, %broadcast_in_dim3A_97 : vector<32x128xi1>, vector<32x128xf32>
      %reduce_sum3A_99 = vector.shape_cast %select_n3A_98 : vector<32x128xf32> to vector<1x32x128xf32>
      %reduce_sum3A_100 = arith.constant dense<0.000000e+00> : vector<1xf32>
      %reduce_sum3A_101 = vector.multi_reduction <add>, %reduce_sum3A_99, %reduce_sum3A_100 [1, 2] : vector<1x32x128xf32> to vector<1xf32>
      %reduce_sum3A_102 = vector.shape_cast %reduce_sum3A_101 : vector<1xf32> to vector<1x1x1xf32>
      %reduce_sum3A_103 = vector.extract %reduce_sum3A_102[0, 0, 0] : f32 from vector<1x1x1xf32>
      %add3A_104 = arith.addf %while3A_81, %reduce_sum3A_103 : f32
      %mul3A_105 = arith.constant 8 : i32
      %mul3A_106 = arith.muli %while3A_80, %mul3A_105 : i32
      %add3A_107 = arith.constant 1 : i32
      %add3A_108 = arith.addi %mul3A_106, %add3A_107 : i32
      %convert_element_type3A_109 = arith.sitofp %add3A_108 : i32 to f32
      %mul3A_110 = vector.broadcast %convert_element_type3A_109 : f32 to vector<32x128xf32>
      %mul3A_111 = arith.mulf %mul3A_110, %div3A_46 : vector<32x128xf32>
      %mul3A_112 = arith.mulf %mul3A_111, %slice3A_12 : vector<32x128xf32>
      %sub3A_113 = arith.subf %add3A_32, %mul3A_112 : vector<32x128xf32>
      %max3A_114 = arith.constant 9.99999996E-13 : f32
      %max3A_115 = vector.broadcast %max3A_114 : f32 to vector<32x128xf32>
      %max3A_116 = arith.maximumf %sub3A_113, %max3A_115 : vector<32x128xf32>
      %log3A_117 = math.log %max3A_116 : vector<32x128xf32>
      %lt3A_118 = vector.broadcast %convert_element_type3A_109 : f32 to vector<32x128xf32>
      %lt3A_119 = arith.cmpf olt, %lt3A_118, %slice3A : vector<32x128xf32>
      %and3A_120 = arith.andi %ge3A_48, %lt3A_119 : vector<32x128xi1>
      %jit3A_121 = arith.constant 0.000000e+00 : f32
      %broadcast_in_dim3A_122 = vector.broadcast %jit3A_121 : f32 to vector<32x128xf32>
      %select_n3A_123 = arith.select %and3A_120, %log3A_117, %broadcast_in_dim3A_122 : vector<32x128xi1>, vector<32x128xf32>
      %reduce_sum3A_124 = vector.shape_cast %select_n3A_123 : vector<32x128xf32> to vector<1x32x128xf32>
      %reduce_sum3A_125 = arith.constant dense<0.000000e+00> : vector<1xf32>
      %reduce_sum3A_126 = vector.multi_reduction <add>, %reduce_sum3A_124, %reduce_sum3A_125 [1, 2] : vector<1x32x128xf32> to vector<1xf32>
      %reduce_sum3A_127 = vector.shape_cast %reduce_sum3A_126 : vector<1xf32> to vector<1x1x1xf32>
      %reduce_sum3A_128 = vector.extract %reduce_sum3A_127[0, 0, 0] : f32 from vector<1x1x1xf32>
      %add3A_129 = arith.addf %add3A_104, %reduce_sum3A_128 : f32
      %mul3A_130 = arith.constant 8 : i32
      %mul3A_131 = arith.muli %while3A_80, %mul3A_130 : i32
      %add3A_132 = arith.constant 2 : i32
      %add3A_133 = arith.addi %mul3A_131, %add3A_132 : i32
      %convert_element_type3A_134 = arith.sitofp %add3A_133 : i32 to f32
      %mul3A_135 = vector.broadcast %convert_element_type3A_134 : f32 to vector<32x128xf32>
      %mul3A_136 = arith.mulf %mul3A_135, %div3A_46 : vector<32x128xf32>
      %mul3A_137 = arith.mulf %mul3A_136, %slice3A_12 : vector<32x128xf32>
      %sub3A_138 = arith.subf %add3A_32, %mul3A_137 : vector<32x128xf32>
      %max3A_139 = arith.constant 9.99999996E-13 : f32
      %max3A_140 = vector.broadcast %max3A_139 : f32 to vector<32x128xf32>
      %max3A_141 = arith.maximumf %sub3A_138, %max3A_140 : vector<32x128xf32>
      %log3A_142 = math.log %max3A_141 : vector<32x128xf32>
      %lt3A_143 = vector.broadcast %convert_element_type3A_134 : f32 to vector<32x128xf32>
      %lt3A_144 = arith.cmpf olt, %lt3A_143, %slice3A : vector<32x128xf32>
      %and3A_145 = arith.andi %ge3A_48, %lt3A_144 : vector<32x128xi1>
      %jit3A_146 = arith.constant 0.000000e+00 : f32
      %broadcast_in_dim3A_147 = vector.broadcast %jit3A_146 : f32 to vector<32x128xf32>
      %select_n3A_148 = arith.select %and3A_145, %log3A_142, %broadcast_in_dim3A_147 : vector<32x128xi1>, vector<32x128xf32>
      %reduce_sum3A_149 = vector.shape_cast %select_n3A_148 : vector<32x128xf32> to vector<1x32x128xf32>
      %reduce_sum3A_150 = arith.constant dense<0.000000e+00> : vector<1xf32>
      %reduce_sum3A_151 = vector.multi_reduction <add>, %reduce_sum3A_149, %reduce_sum3A_150 [1, 2] : vector<1x32x128xf32> to vector<1xf32>
      %reduce_sum3A_152 = vector.shape_cast %reduce_sum3A_151 : vector<1xf32> to vector<1x1x1xf32>
      %reduce_sum3A_153 = vector.extract %reduce_sum3A_152[0, 0, 0] : f32 from vector<1x1x1xf32>
      %add3A_154 = arith.addf %add3A_129, %reduce_sum3A_153 : f32
      %mul3A_155 = arith.constant 8 : i32
      %mul3A_156 = arith.muli %while3A_80, %mul3A_155 : i32
      %add3A_157 = arith.constant 3 : i32
      %add3A_158 = arith.addi %mul3A_156, %add3A_157 : i32
      %convert_element_type3A_159 = arith.sitofp %add3A_158 : i32 to f32
      %mul3A_160 = vector.broadcast %convert_element_type3A_159 : f32 to vector<32x128xf32>
      %mul3A_161 = arith.mulf %mul3A_160, %div3A_46 : vector<32x128xf32>
      %mul3A_162 = arith.mulf %mul3A_161, %slice3A_12 : vector<32x128xf32>
      %sub3A_163 = arith.subf %add3A_32, %mul3A_162 : vector<32x128xf32>
      %max3A_164 = arith.constant 9.99999996E-13 : f32
      %max3A_165 = vector.broadcast %max3A_164 : f32 to vector<32x128xf32>
      %max3A_166 = arith.maximumf %sub3A_163, %max3A_165 : vector<32x128xf32>
      %log3A_167 = math.log %max3A_166 : vector<32x128xf32>
      %lt3A_168 = vector.broadcast %convert_element_type3A_159 : f32 to vector<32x128xf32>
      %lt3A_169 = arith.cmpf olt, %lt3A_168, %slice3A : vector<32x128xf32>
      %and3A_170 = arith.andi %ge3A_48, %lt3A_169 : vector<32x128xi1>
      %jit3A_171 = arith.constant 0.000000e+00 : f32
      %broadcast_in_dim3A_172 = vector.broadcast %jit3A_171 : f32 to vector<32x128xf32>
      %select_n3A_173 = arith.select %and3A_170, %log3A_167, %broadcast_in_dim3A_172 : vector<32x128xi1>, vector<32x128xf32>
      %reduce_sum3A_174 = vector.shape_cast %select_n3A_173 : vector<32x128xf32> to vector<1x32x128xf32>
      %reduce_sum3A_175 = arith.constant dense<0.000000e+00> : vector<1xf32>
      %reduce_sum3A_176 = vector.multi_reduction <add>, %reduce_sum3A_174, %reduce_sum3A_175 [1, 2] : vector<1x32x128xf32> to vector<1xf32>
      %reduce_sum3A_177 = vector.shape_cast %reduce_sum3A_176 : vector<1xf32> to vector<1x1x1xf32>
      %reduce_sum3A_178 = vector.extract %reduce_sum3A_177[0, 0, 0] : f32 from vector<1x1x1xf32>
      %add3A_179 = arith.addf %add3A_154, %reduce_sum3A_178 : f32
      %mul3A_180 = arith.constant 8 : i32
      %mul3A_181 = arith.muli %while3A_80, %mul3A_180 : i32
      %add3A_182 = arith.constant 4 : i32
      %add3A_183 = arith.addi %mul3A_181, %add3A_182 : i32
      %convert_element_type3A_184 = arith.sitofp %add3A_183 : i32 to f32
      %mul3A_185 = vector.broadcast %convert_element_type3A_184 : f32 to vector<32x128xf32>
      %mul3A_186 = arith.mulf %mul3A_185, %div3A_46 : vector<32x128xf32>
      %mul3A_187 = arith.mulf %mul3A_186, %slice3A_12 : vector<32x128xf32>
      %sub3A_188 = arith.subf %add3A_32, %mul3A_187 : vector<32x128xf32>
      %max3A_189 = arith.constant 9.99999996E-13 : f32
      %max3A_190 = vector.broadcast %max3A_189 : f32 to vector<32x128xf32>
      %max3A_191 = arith.maximumf %sub3A_188, %max3A_190 : vector<32x128xf32>
      %log3A_192 = math.log %max3A_191 : vector<32x128xf32>
      %lt3A_193 = vector.broadcast %convert_element_type3A_184 : f32 to vector<32x128xf32>
      %lt3A_194 = arith.cmpf olt, %lt3A_193, %slice3A : vector<32x128xf32>
      %and3A_195 = arith.andi %ge3A_48, %lt3A_194 : vector<32x128xi1>
      %jit3A_196 = arith.constant 0.000000e+00 : f32
      %broadcast_in_dim3A_197 = vector.broadcast %jit3A_196 : f32 to vector<32x128xf32>
      %select_n3A_198 = arith.select %and3A_195, %log3A_192, %broadcast_in_dim3A_197 : vector<32x128xi1>, vector<32x128xf32>
      %reduce_sum3A_199 = vector.shape_cast %select_n3A_198 : vector<32x128xf32> to vector<1x32x128xf32>
      %reduce_sum3A_200 = arith.constant dense<0.000000e+00> : vector<1xf32>
      %reduce_sum3A_201 = vector.multi_reduction <add>, %reduce_sum3A_199, %reduce_sum3A_200 [1, 2] : vector<1x32x128xf32> to vector<1xf32>
      %reduce_sum3A_202 = vector.shape_cast %reduce_sum3A_201 : vector<1xf32> to vector<1x1x1xf32>
      %reduce_sum3A_203 = vector.extract %reduce_sum3A_202[0, 0, 0] : f32 from vector<1x1x1xf32>
      %add3A_204 = arith.addf %add3A_179, %reduce_sum3A_203 : f32
      %mul3A_205 = arith.constant 8 : i32
      %mul3A_206 = arith.muli %while3A_80, %mul3A_205 : i32
      %add3A_207 = arith.constant 5 : i32
      %add3A_208 = arith.addi %mul3A_206, %add3A_207 : i32
      %convert_element_type3A_209 = arith.sitofp %add3A_208 : i32 to f32
      %mul3A_210 = vector.broadcast %convert_element_type3A_209 : f32 to vector<32x128xf32>
      %mul3A_211 = arith.mulf %mul3A_210, %div3A_46 : vector<32x128xf32>
      %mul3A_212 = arith.mulf %mul3A_211, %slice3A_12 : vector<32x128xf32>
      %sub3A_213 = arith.subf %add3A_32, %mul3A_212 : vector<32x128xf32>
      %max3A_214 = arith.constant 9.99999996E-13 : f32
      %max3A_215 = vector.broadcast %max3A_214 : f32 to vector<32x128xf32>
      %max3A_216 = arith.maximumf %sub3A_213, %max3A_215 : vector<32x128xf32>
      %log3A_217 = math.log %max3A_216 : vector<32x128xf32>
      %lt3A_218 = vector.broadcast %convert_element_type3A_209 : f32 to vector<32x128xf32>
      %lt3A_219 = arith.cmpf olt, %lt3A_218, %slice3A : vector<32x128xf32>
      %and3A_220 = arith.andi %ge3A_48, %lt3A_219 : vector<32x128xi1>
      %jit3A_221 = arith.constant 0.000000e+00 : f32
      %broadcast_in_dim3A_222 = vector.broadcast %jit3A_221 : f32 to vector<32x128xf32>
      %select_n3A_223 = arith.select %and3A_220, %log3A_217, %broadcast_in_dim3A_222 : vector<32x128xi1>, vector<32x128xf32>
      %reduce_sum3A_224 = vector.shape_cast %select_n3A_223 : vector<32x128xf32> to vector<1x32x128xf32>
      %reduce_sum3A_225 = arith.constant dense<0.000000e+00> : vector<1xf32>
      %reduce_sum3A_226 = vector.multi_reduction <add>, %reduce_sum3A_224, %reduce_sum3A_225 [1, 2] : vector<1x32x128xf32> to vector<1xf32>
      %reduce_sum3A_227 = vector.shape_cast %reduce_sum3A_226 : vector<1xf32> to vector<1x1x1xf32>
      %reduce_sum3A_228 = vector.extract %reduce_sum3A_227[0, 0, 0] : f32 from vector<1x1x1xf32>
      %add3A_229 = arith.addf %add3A_204, %reduce_sum3A_228 : f32
      %mul3A_230 = arith.constant 8 : i32
      %mul3A_231 = arith.muli %while3A_80, %mul3A_230 : i32
      %add3A_232 = arith.constant 6 : i32
      %add3A_233 = arith.addi %mul3A_231, %add3A_232 : i32
      %convert_element_type3A_234 = arith.sitofp %add3A_233 : i32 to f32
      %mul3A_235 = vector.broadcast %convert_element_type3A_234 : f32 to vector<32x128xf32>
      %mul3A_236 = arith.mulf %mul3A_235, %div3A_46 : vector<32x128xf32>
      %mul3A_237 = arith.mulf %mul3A_236, %slice3A_12 : vector<32x128xf32>
      %sub3A_238 = arith.subf %add3A_32, %mul3A_237 : vector<32x128xf32>
      %max3A_239 = arith.constant 9.99999996E-13 : f32
      %max3A_240 = vector.broadcast %max3A_239 : f32 to vector<32x128xf32>
      %max3A_241 = arith.maximumf %sub3A_238, %max3A_240 : vector<32x128xf32>
      %log3A_242 = math.log %max3A_241 : vector<32x128xf32>
      %lt3A_243 = vector.broadcast %convert_element_type3A_234 : f32 to vector<32x128xf32>
      %lt3A_244 = arith.cmpf olt, %lt3A_243, %slice3A : vector<32x128xf32>
      %and3A_245 = arith.andi %ge3A_48, %lt3A_244 : vector<32x128xi1>
      %jit3A_246 = arith.constant 0.000000e+00 : f32
      %broadcast_in_dim3A_247 = vector.broadcast %jit3A_246 : f32 to vector<32x128xf32>
      %select_n3A_248 = arith.select %and3A_245, %log3A_242, %broadcast_in_dim3A_247 : vector<32x128xi1>, vector<32x128xf32>
      %reduce_sum3A_249 = vector.shape_cast %select_n3A_248 : vector<32x128xf32> to vector<1x32x128xf32>
      %reduce_sum3A_250 = arith.constant dense<0.000000e+00> : vector<1xf32>
      %reduce_sum3A_251 = vector.multi_reduction <add>, %reduce_sum3A_249, %reduce_sum3A_250 [1, 2] : vector<1x32x128xf32> to vector<1xf32>
      %reduce_sum3A_252 = vector.shape_cast %reduce_sum3A_251 : vector<1xf32> to vector<1x1x1xf32>
      %reduce_sum3A_253 = vector.extract %reduce_sum3A_252[0, 0, 0] : f32 from vector<1x1x1xf32>
      %add3A_254 = arith.addf %add3A_229, %reduce_sum3A_253 : f32
      %mul3A_255 = arith.constant 8 : i32
      %mul3A_256 = arith.muli %while3A_80, %mul3A_255 : i32
      %add3A_257 = arith.constant 7 : i32
      %add3A_258 = arith.addi %mul3A_256, %add3A_257 : i32
      %convert_element_type3A_259 = arith.sitofp %add3A_258 : i32 to f32
      %mul3A_260 = vector.broadcast %convert_element_type3A_259 : f32 to vector<32x128xf32>
      %mul3A_261 = arith.mulf %mul3A_260, %div3A_46 : vector<32x128xf32>
      %mul3A_262 = arith.mulf %mul3A_261, %slice3A_12 : vector<32x128xf32>
      %sub3A_263 = arith.subf %add3A_32, %mul3A_262 : vector<32x128xf32>
      %max3A_264 = arith.constant 9.99999996E-13 : f32
      %max3A_265 = vector.broadcast %max3A_264 : f32 to vector<32x128xf32>
      %max3A_266 = arith.maximumf %sub3A_263, %max3A_265 : vector<32x128xf32>
      %log3A_267 = math.log %max3A_266 : vector<32x128xf32>
      %lt3A_268 = vector.broadcast %convert_element_type3A_259 : f32 to vector<32x128xf32>
      %lt3A_269 = arith.cmpf olt, %lt3A_268, %slice3A : vector<32x128xf32>
      %and3A_270 = arith.andi %ge3A_48, %lt3A_269 : vector<32x128xi1>
      %jit3A_271 = arith.constant 0.000000e+00 : f32
      %broadcast_in_dim3A_272 = vector.broadcast %jit3A_271 : f32 to vector<32x128xf32>
      %select_n3A_273 = arith.select %and3A_270, %log3A_267, %broadcast_in_dim3A_272 : vector<32x128xi1>, vector<32x128xf32>
      %reduce_sum3A_274 = vector.shape_cast %select_n3A_273 : vector<32x128xf32> to vector<1x32x128xf32>
      %reduce_sum3A_275 = arith.constant dense<0.000000e+00> : vector<1xf32>
      %reduce_sum3A_276 = vector.multi_reduction <add>, %reduce_sum3A_274, %reduce_sum3A_275 [1, 2] : vector<1x32x128xf32> to vector<1xf32>
      %reduce_sum3A_277 = vector.shape_cast %reduce_sum3A_276 : vector<1xf32> to vector<1x1x1xf32>
      %reduce_sum3A_278 = vector.extract %reduce_sum3A_277[0, 0, 0] : f32 from vector<1x1x1xf32>
      %add3A_279 = arith.addf %add3A_254, %reduce_sum3A_278 : f32
      scf.yield %add3A_279 : f32
    }
    %while3A_65 = arith.constant 1 : i32
    %while3A_66 = scf.for %while3A_80 = %while3A_62 to %while3A_58 step %while3A_65 iter_args(%while3A_81 = %while3A_64) -> (f32)  : i32 {
      %mul3A = arith.constant 8 : i32
      %mul3A_82 = arith.muli %while3A_80, %mul3A : i32
      %add3A_83 = arith.constant 0 : i32
      %add3A_84 = arith.addi %mul3A_82, %add3A_83 : i32
      %convert_element_type3A_85 = arith.sitofp %add3A_84 : i32 to f32
      %mul3A_86 = vector.broadcast %convert_element_type3A_85 : f32 to vector<32x128xf32>
      %mul3A_87 = arith.mulf %mul3A_86, %div3A_46 : vector<32x128xf32>
      %mul3A_88 = arith.mulf %mul3A_87, %slice3A_12 : vector<32x128xf32>
      %sub3A_89 = arith.subf %add3A_32, %mul3A_88 : vector<32x128xf32>
      %max3A_90 = arith.constant 9.99999996E-13 : f32
      %max3A_91 = vector.broadcast %max3A_90 : f32 to vector<32x128xf32>
      %max3A_92 = arith.maximumf %sub3A_89, %max3A_91 : vector<32x128xf32>
      %log3A_93 = math.log %max3A_92 : vector<32x128xf32>
      %lt3A_94 = vector.broadcast %convert_element_type3A_85 : f32 to vector<32x128xf32>
      %lt3A_95 = arith.cmpf olt, %lt3A_94, %slice3A : vector<32x128xf32>
      %and3A = arith.andi %ge3A_48, %lt3A_95 : vector<32x128xi1>
      %jit3A_96 = arith.constant 0.000000e+00 : f32
      %broadcast_in_dim3A_97 = vector.broadcast %jit3A_96 : f32 to vector<32x128xf32>
      %select_n3A_98 = arith.select %and3A, %log3A_93, %broadcast_in_dim3A_97 : vector<32x128xi1>, vector<32x128xf32>
      %reduce_sum3A_99 = vector.shape_cast %select_n3A_98 : vector<32x128xf32> to vector<1x32x128xf32>
      %reduce_sum3A_100 = arith.constant dense<0.000000e+00> : vector<1xf32>
      %reduce_sum3A_101 = vector.multi_reduction <add>, %reduce_sum3A_99, %reduce_sum3A_100 [1, 2] : vector<1x32x128xf32> to vector<1xf32>
      %reduce_sum3A_102 = vector.shape_cast %reduce_sum3A_101 : vector<1xf32> to vector<1x1x1xf32>
      %reduce_sum3A_103 = vector.extract %reduce_sum3A_102[0, 0, 0] : f32 from vector<1x1x1xf32>
      %add3A_104 = arith.addf %while3A_81, %reduce_sum3A_103 : f32
      %mul3A_105 = arith.constant 8 : i32
      %mul3A_106 = arith.muli %while3A_80, %mul3A_105 : i32
      %add3A_107 = arith.constant 1 : i32
      %add3A_108 = arith.addi %mul3A_106, %add3A_107 : i32
      %convert_element_type3A_109 = arith.sitofp %add3A_108 : i32 to f32
      %mul3A_110 = vector.broadcast %convert_element_type3A_109 : f32 to vector<32x128xf32>
      %mul3A_111 = arith.mulf %mul3A_110, %div3A_46 : vector<32x128xf32>
      %mul3A_112 = arith.mulf %mul3A_111, %slice3A_12 : vector<32x128xf32>
      %sub3A_113 = arith.subf %add3A_32, %mul3A_112 : vector<32x128xf32>
      %max3A_114 = arith.constant 9.99999996E-13 : f32
      %max3A_115 = vector.broadcast %max3A_114 : f32 to vector<32x128xf32>
      %max3A_116 = arith.maximumf %sub3A_113, %max3A_115 : vector<32x128xf32>
      %log3A_117 = math.log %max3A_116 : vector<32x128xf32>
      %lt3A_118 = vector.broadcast %convert_element_type3A_109 : f32 to vector<32x128xf32>
      %lt3A_119 = arith.cmpf olt, %lt3A_118, %slice3A : vector<32x128xf32>
      %and3A_120 = arith.andi %ge3A_48, %lt3A_119 : vector<32x128xi1>
      %jit3A_121 = arith.constant 0.000000e+00 : f32
      %broadcast_in_dim3A_122 = vector.broadcast %jit3A_121 : f32 to vector<32x128xf32>
      %select_n3A_123 = arith.select %and3A_120, %log3A_117, %broadcast_in_dim3A_122 : vector<32x128xi1>, vector<32x128xf32>
      %reduce_sum3A_124 = vector.shape_cast %select_n3A_123 : vector<32x128xf32> to vector<1x32x128xf32>
      %reduce_sum3A_125 = arith.constant dense<0.000000e+00> : vector<1xf32>
      %reduce_sum3A_126 = vector.multi_reduction <add>, %reduce_sum3A_124, %reduce_sum3A_125 [1, 2] : vector<1x32x128xf32> to vector<1xf32>
      %reduce_sum3A_127 = vector.shape_cast %reduce_sum3A_126 : vector<1xf32> to vector<1x1x1xf32>
      %reduce_sum3A_128 = vector.extract %reduce_sum3A_127[0, 0, 0] : f32 from vector<1x1x1xf32>
      %add3A_129 = arith.addf %add3A_104, %reduce_sum3A_128 : f32
      %mul3A_130 = arith.constant 8 : i32
      %mul3A_131 = arith.muli %while3A_80, %mul3A_130 : i32
      %add3A_132 = arith.constant 2 : i32
      %add3A_133 = arith.addi %mul3A_131, %add3A_132 : i32
      %convert_element_type3A_134 = arith.sitofp %add3A_133 : i32 to f32
      %mul3A_135 = vector.broadcast %convert_element_type3A_134 : f32 to vector<32x128xf32>
      %mul3A_136 = arith.mulf %mul3A_135, %div3A_46 : vector<32x128xf32>
      %mul3A_137 = arith.mulf %mul3A_136, %slice3A_12 : vector<32x128xf32>
      %sub3A_138 = arith.subf %add3A_32, %mul3A_137 : vector<32x128xf32>
      %max3A_139 = arith.constant 9.99999996E-13 : f32
      %max3A_140 = vector.broadcast %max3A_139 : f32 to vector<32x128xf32>
      %max3A_141 = arith.maximumf %sub3A_138, %max3A_140 : vector<32x128xf32>
      %log3A_142 = math.log %max3A_141 : vector<32x128xf32>
      %lt3A_143 = vector.broadcast %convert_element_type3A_134 : f32 to vector<32x128xf32>
      %lt3A_144 = arith.cmpf olt, %lt3A_143, %slice3A : vector<32x128xf32>
      %and3A_145 = arith.andi %ge3A_48, %lt3A_144 : vector<32x128xi1>
      %jit3A_146 = arith.constant 0.000000e+00 : f32
      %broadcast_in_dim3A_147 = vector.broadcast %jit3A_146 : f32 to vector<32x128xf32>
      %select_n3A_148 = arith.select %and3A_145, %log3A_142, %broadcast_in_dim3A_147 : vector<32x128xi1>, vector<32x128xf32>
      %reduce_sum3A_149 = vector.shape_cast %select_n3A_148 : vector<32x128xf32> to vector<1x32x128xf32>
      %reduce_sum3A_150 = arith.constant dense<0.000000e+00> : vector<1xf32>
      %reduce_sum3A_151 = vector.multi_reduction <add>, %reduce_sum3A_149, %reduce_sum3A_150 [1, 2] : vector<1x32x128xf32> to vector<1xf32>
      %reduce_sum3A_152 = vector.shape_cast %reduce_sum3A_151 : vector<1xf32> to vector<1x1x1xf32>
      %reduce_sum3A_153 = vector.extract %reduce_sum3A_152[0, 0, 0] : f32 from vector<1x1x1xf32>
      %add3A_154 = arith.addf %add3A_129, %reduce_sum3A_153 : f32
      %mul3A_155 = arith.constant 8 : i32
      %mul3A_156 = arith.muli %while3A_80, %mul3A_155 : i32
      %add3A_157 = arith.constant 3 : i32
      %add3A_158 = arith.addi %mul3A_156, %add3A_157 : i32
      %convert_element_type3A_159 = arith.sitofp %add3A_158 : i32 to f32
      %mul3A_160 = vector.broadcast %convert_element_type3A_159 : f32 to vector<32x128xf32>
      %mul3A_161 = arith.mulf %mul3A_160, %div3A_46 : vector<32x128xf32>
      %mul3A_162 = arith.mulf %mul3A_161, %slice3A_12 : vector<32x128xf32>
      %sub3A_163 = arith.subf %add3A_32, %mul3A_162 : vector<32x128xf32>
      %max3A_164 = arith.constant 9.99999996E-13 : f32
      %max3A_165 = vector.broadcast %max3A_164 : f32 to vector<32x128xf32>
      %max3A_166 = arith.maximumf %sub3A_163, %max3A_165 : vector<32x128xf32>
      %log3A_167 = math.log %max3A_166 : vector<32x128xf32>
      %lt3A_168 = vector.broadcast %convert_element_type3A_159 : f32 to vector<32x128xf32>
      %lt3A_169 = arith.cmpf olt, %lt3A_168, %slice3A : vector<32x128xf32>
      %and3A_170 = arith.andi %ge3A_48, %lt3A_169 : vector<32x128xi1>
      %jit3A_171 = arith.constant 0.000000e+00 : f32
      %broadcast_in_dim3A_172 = vector.broadcast %jit3A_171 : f32 to vector<32x128xf32>
      %select_n3A_173 = arith.select %and3A_170, %log3A_167, %broadcast_in_dim3A_172 : vector<32x128xi1>, vector<32x128xf32>
      %reduce_sum3A_174 = vector.shape_cast %select_n3A_173 : vector<32x128xf32> to vector<1x32x128xf32>
      %reduce_sum3A_175 = arith.constant dense<0.000000e+00> : vector<1xf32>
      %reduce_sum3A_176 = vector.multi_reduction <add>, %reduce_sum3A_174, %reduce_sum3A_175 [1, 2] : vector<1x32x128xf32> to vector<1xf32>
      %reduce_sum3A_177 = vector.shape_cast %reduce_sum3A_176 : vector<1xf32> to vector<1x1x1xf32>
      %reduce_sum3A_178 = vector.extract %reduce_sum3A_177[0, 0, 0] : f32 from vector<1x1x1xf32>
      %add3A_179 = arith.addf %add3A_154, %reduce_sum3A_178 : f32
      %mul3A_180 = arith.constant 8 : i32
      %mul3A_181 = arith.muli %while3A_80, %mul3A_180 : i32
      %add3A_182 = arith.constant 4 : i32
      %add3A_183 = arith.addi %mul3A_181, %add3A_182 : i32
      %convert_element_type3A_184 = arith.sitofp %add3A_183 : i32 to f32
      %mul3A_185 = vector.broadcast %convert_element_type3A_184 : f32 to vector<32x128xf32>
      %mul3A_186 = arith.mulf %mul3A_185, %div3A_46 : vector<32x128xf32>
      %mul3A_187 = arith.mulf %mul3A_186, %slice3A_12 : vector<32x128xf32>
      %sub3A_188 = arith.subf %add3A_32, %mul3A_187 : vector<32x128xf32>
      %max3A_189 = arith.constant 9.99999996E-13 : f32
      %max3A_190 = vector.broadcast %max3A_189 : f32 to vector<32x128xf32>
      %max3A_191 = arith.maximumf %sub3A_188, %max3A_190 : vector<32x128xf32>
      %log3A_192 = math.log %max3A_191 : vector<32x128xf32>
      %lt3A_193 = vector.broadcast %convert_element_type3A_184 : f32 to vector<32x128xf32>
      %lt3A_194 = arith.cmpf olt, %lt3A_193, %slice3A : vector<32x128xf32>
      %and3A_195 = arith.andi %ge3A_48, %lt3A_194 : vector<32x128xi1>
      %jit3A_196 = arith.constant 0.000000e+00 : f32
      %broadcast_in_dim3A_197 = vector.broadcast %jit3A_196 : f32 to vector<32x128xf32>
      %select_n3A_198 = arith.select %and3A_195, %log3A_192, %broadcast_in_dim3A_197 : vector<32x128xi1>, vector<32x128xf32>
      %reduce_sum3A_199 = vector.shape_cast %select_n3A_198 : vector<32x128xf32> to vector<1x32x128xf32>
      %reduce_sum3A_200 = arith.constant dense<0.000000e+00> : vector<1xf32>
      %reduce_sum3A_201 = vector.multi_reduction <add>, %reduce_sum3A_199, %reduce_sum3A_200 [1, 2] : vector<1x32x128xf32> to vector<1xf32>
      %reduce_sum3A_202 = vector.shape_cast %reduce_sum3A_201 : vector<1xf32> to vector<1x1x1xf32>
      %reduce_sum3A_203 = vector.extract %reduce_sum3A_202[0, 0, 0] : f32 from vector<1x1x1xf32>
      %add3A_204 = arith.addf %add3A_179, %reduce_sum3A_203 : f32
      %mul3A_205 = arith.constant 8 : i32
      %mul3A_206 = arith.muli %while3A_80, %mul3A_205 : i32
      %add3A_207 = arith.constant 5 : i32
      %add3A_208 = arith.addi %mul3A_206, %add3A_207 : i32
      %convert_element_type3A_209 = arith.sitofp %add3A_208 : i32 to f32
      %mul3A_210 = vector.broadcast %convert_element_type3A_209 : f32 to vector<32x128xf32>
      %mul3A_211 = arith.mulf %mul3A_210, %div3A_46 : vector<32x128xf32>
      %mul3A_212 = arith.mulf %mul3A_211, %slice3A_12 : vector<32x128xf32>
      %sub3A_213 = arith.subf %add3A_32, %mul3A_212 : vector<32x128xf32>
      %max3A_214 = arith.constant 9.99999996E-13 : f32
      %max3A_215 = vector.broadcast %max3A_214 : f32 to vector<32x128xf32>
      %max3A_216 = arith.maximumf %sub3A_213, %max3A_215 : vector<32x128xf32>
      %log3A_217 = math.log %max3A_216 : vector<32x128xf32>
      %lt3A_218 = vector.broadcast %convert_element_type3A_209 : f32 to vector<32x128xf32>
      %lt3A_219 = arith.cmpf olt, %lt3A_218, %slice3A : vector<32x128xf32>
      %and3A_220 = arith.andi %ge3A_48, %lt3A_219 : vector<32x128xi1>
      %jit3A_221 = arith.constant 0.000000e+00 : f32
      %broadcast_in_dim3A_222 = vector.broadcast %jit3A_221 : f32 to vector<32x128xf32>
      %select_n3A_223 = arith.select %and3A_220, %log3A_217, %broadcast_in_dim3A_222 : vector<32x128xi1>, vector<32x128xf32>
      %reduce_sum3A_224 = vector.shape_cast %select_n3A_223 : vector<32x128xf32> to vector<1x32x128xf32>
      %reduce_sum3A_225 = arith.constant dense<0.000000e+00> : vector<1xf32>
      %reduce_sum3A_226 = vector.multi_reduction <add>, %reduce_sum3A_224, %reduce_sum3A_225 [1, 2] : vector<1x32x128xf32> to vector<1xf32>
      %reduce_sum3A_227 = vector.shape_cast %reduce_sum3A_226 : vector<1xf32> to vector<1x1x1xf32>
      %reduce_sum3A_228 = vector.extract %reduce_sum3A_227[0, 0, 0] : f32 from vector<1x1x1xf32>
      %add3A_229 = arith.addf %add3A_204, %reduce_sum3A_228 : f32
      %mul3A_230 = arith.constant 8 : i32
      %mul3A_231 = arith.muli %while3A_80, %mul3A_230 : i32
      %add3A_232 = arith.constant 6 : i32
      %add3A_233 = arith.addi %mul3A_231, %add3A_232 : i32
      %convert_element_type3A_234 = arith.sitofp %add3A_233 : i32 to f32
      %mul3A_235 = vector.broadcast %convert_element_type3A_234 : f32 to vector<32x128xf32>
      %mul3A_236 = arith.mulf %mul3A_235, %div3A_46 : vector<32x128xf32>
      %mul3A_237 = arith.mulf %mul3A_236, %slice3A_12 : vector<32x128xf32>
      %sub3A_238 = arith.subf %add3A_32, %mul3A_237 : vector<32x128xf32>
      %max3A_239 = arith.constant 9.99999996E-13 : f32
      %max3A_240 = vector.broadcast %max3A_239 : f32 to vector<32x128xf32>
      %max3A_241 = arith.maximumf %sub3A_238, %max3A_240 : vector<32x128xf32>
      %log3A_242 = math.log %max3A_241 : vector<32x128xf32>
      %lt3A_243 = vector.broadcast %convert_element_type3A_234 : f32 to vector<32x128xf32>
      %lt3A_244 = arith.cmpf olt, %lt3A_243, %slice3A : vector<32x128xf32>
      %and3A_245 = arith.andi %ge3A_48, %lt3A_244 : vector<32x128xi1>
      %jit3A_246 = arith.constant 0.000000e+00 : f32
      %broadcast_in_dim3A_247 = vector.broadcast %jit3A_246 : f32 to vector<32x128xf32>
      %select_n3A_248 = arith.select %and3A_245, %log3A_242, %broadcast_in_dim3A_247 : vector<32x128xi1>, vector<32x128xf32>
      %reduce_sum3A_249 = vector.shape_cast %select_n3A_248 : vector<32x128xf32> to vector<1x32x128xf32>
      %reduce_sum3A_250 = arith.constant dense<0.000000e+00> : vector<1xf32>
      %reduce_sum3A_251 = vector.multi_reduction <add>, %reduce_sum3A_249, %reduce_sum3A_250 [1, 2] : vector<1x32x128xf32> to vector<1xf32>
      %reduce_sum3A_252 = vector.shape_cast %reduce_sum3A_251 : vector<1xf32> to vector<1x1x1xf32>
      %reduce_sum3A_253 = vector.extract %reduce_sum3A_252[0, 0, 0] : f32 from vector<1x1x1xf32>
      %add3A_254 = arith.addf %add3A_229, %reduce_sum3A_253 : f32
      %mul3A_255 = arith.constant 8 : i32
      %mul3A_256 = arith.muli %while3A_80, %mul3A_255 : i32
      %add3A_257 = arith.constant 7 : i32
      %add3A_258 = arith.addi %mul3A_256, %add3A_257 : i32
      %convert_element_type3A_259 = arith.sitofp %add3A_258 : i32 to f32
      %mul3A_260 = vector.broadcast %convert_element_type3A_259 : f32 to vector<32x128xf32>
      %mul3A_261 = arith.mulf %mul3A_260, %div3A_46 : vector<32x128xf32>
      %mul3A_262 = arith.mulf %mul3A_261, %slice3A_12 : vector<32x128xf32>
      %sub3A_263 = arith.subf %add3A_32, %mul3A_262 : vector<32x128xf32>
      %max3A_264 = arith.constant 9.99999996E-13 : f32
      %max3A_265 = vector.broadcast %max3A_264 : f32 to vector<32x128xf32>
      %max3A_266 = arith.maximumf %sub3A_263, %max3A_265 : vector<32x128xf32>
      %log3A_267 = math.log %max3A_266 : vector<32x128xf32>
      %lt3A_268 = vector.broadcast %convert_element_type3A_259 : f32 to vector<32x128xf32>
      %lt3A_269 = arith.cmpf olt, %lt3A_268, %slice3A : vector<32x128xf32>
      %and3A_270 = arith.andi %ge3A_48, %lt3A_269 : vector<32x128xi1>
      %jit3A_271 = arith.constant 0.000000e+00 : f32
      %broadcast_in_dim3A_272 = vector.broadcast %jit3A_271 : f32 to vector<32x128xf32>
      %select_n3A_273 = arith.select %and3A_270, %log3A_267, %broadcast_in_dim3A_272 : vector<32x128xi1>, vector<32x128xf32>
      %reduce_sum3A_274 = vector.shape_cast %select_n3A_273 : vector<32x128xf32> to vector<1x32x128xf32>
      %reduce_sum3A_275 = arith.constant dense<0.000000e+00> : vector<1xf32>
      %reduce_sum3A_276 = vector.multi_reduction <add>, %reduce_sum3A_274, %reduce_sum3A_275 [1, 2] : vector<1x32x128xf32> to vector<1xf32>
      %reduce_sum3A_277 = vector.shape_cast %reduce_sum3A_276 : vector<1xf32> to vector<1x1x1xf32>
      %reduce_sum3A_278 = vector.extract %reduce_sum3A_277[0, 0, 0] : f32 from vector<1x1x1xf32>
      %add3A_279 = arith.addf %add3A_254, %reduce_sum3A_278 : f32
      scf.yield %add3A_279 : f32
    }
    %reduce_sum3A_67 = vector.shape_cast %slice3A : vector<32x128xf32> to vector<1x32x128xf32>
    %reduce_sum3A_68 = arith.constant dense<0.000000e+00> : vector<1xf32>
    %reduce_sum3A_69 = vector.multi_reduction <add>, %reduce_sum3A_67, %reduce_sum3A_68 [1, 2] : vector<1x32x128xf32> to vector<1xf32>
    %reduce_sum3A_70 = vector.shape_cast %reduce_sum3A_69 : vector<1xf32> to vector<1x1x1xf32>
    %reduce_sum3A_71 = vector.extract %reduce_sum3A_70[0, 0, 0] : f32 from vector<1x1x1xf32>
    %max3A_72 = arith.constant 1.000000e+00 : f32
    %max3A_73 = arith.maximumf %reduce_sum3A_71, %max3A_72 : f32
    %add3A_74 = arith.addf %reduce_sum3A_42, %while3A_66 : f32
    %sub3A_75 = arith.subf %add3A_74, %reduce_sum3A_11 : f32
    %div3A_76 = arith.divf %sub3A_75, %max3A_73 : f32
    %broadcast_in_dim3A_77 = vector.broadcast %div3A_76 : f32 to vector<8x128xf32>
    %swap3A = arith.constant 0 : index
    %swap3A_78 = arith.constant 0 : index
    %swap3A_79 = vector.load %arg2[%swap3A, %swap3A_78] : memref<8x128xf32, #tpu.memory_space<vmem>>, vector<8x128xf32>
    tpu.vector_store %arg2[%swap3A, %swap3A_78], %broadcast_in_dim3A_77 {strides = array<i32>} : memref<8x128xf32, #tpu.memory_space<vmem>>, vector<8x128xf32>,
    return
  }
}

</mosaic_0001>

<sc_bundles>
// kernel: kernel.4.cloned.1.call-start
scs
__scs_entry_jumppad:
0x0: {  	(pc) =	sbr.rel $0x88, $3  }
0x1: {  	(tag) =	ssettag $0x0;
	lr =	simm.s32 $0x1  }
0x2: {  	[smem:$0x3F9E] =	sst lr;
	_ =	strace $0xD0000000  }
0x3: {  	_ = 	snop  }
0x4: {  	_ = 	snop  }
0x5: {  	_ = 	snop  }
0x6: {  	_ = 	snop  }
0x7: {  	_ = 	snop  }
__scs_overlays_trampoline_lowered:
0x8: {  	[smem:$0x3FAD] =	sst s0  }
0x9: {  	[smem:$0x3FAE] =	sst s1  }
0xa: {  	[smem:$0x3FAF] =	sst s2  }
0xb: {  	[smem:$0x3FB0] =	sst s3  }
0xc: {  	[smem:$0x3FB1] =	sst s4  }
0xd: {  	[smem:$0x3FB2] =	sst s5  }
0xe: {  	[smem:$0x3FB3] =	sst s6  }
0xf: {  	[smem:$0x3FB4] =	sst s7  }
0x10: {  	[smem:$0x3FB5] =	sst s8  }
0x11: {  	[smem:$0x3FB6] =	sst s9;
	s0 =	simm.s32 @!p0 $0x0  }
0x12: {  	s1 =	sld [smem:$0x3F9C];
	s0 =	simm.s32 @p0 $0x1  }
0x13: {  	[smem:$0x3FB7] =	sst s0;
	s0 =	simm.s32 @!p1 $0x0  }
0x14: {  	s2 =	sld [smem:$0x3F9B];
	s0 =	simm.s32 @p1 $0x1  }
0x15: {  	[smem:$0x3FB8] =	sst s0;
	s0 =	simm.s32 @!p2 $0x0  }
0x16: {  	s3 =	sld [smem:$0x3FDB];
	s0 =	simm.s32 @p2 $0x1  }
0x17: {  	s4 =	simm.s32 $0x1BF5;
	[smem:$0x3FBA] =	sst s0  }
0x18: {  	s0 =	sld [smem:$0x3F9D];
	_ =	swait.ge [sflag:s4], $0x0  }
0x19: {  	s7 =	sld [smem:$0x3F9E]  }
0x1a: {  	s8 =	sadd.s32 $0xFFFFE003, lr  }
0x1b: {  	s9 =	sadd.s32 $0xFFFFFEF7, lr;
	s5 =	simm.s32 $0xFFFFFFFF;
	p2 =	slt.u32 s8, $0xFFFFF086  }
0x1c: {  	p1 =	slt.u32 s9, $0xF7A;
	s5 =	simm.s32 @!p2 $0x0  }
0x1d: {  	s5 =	simm.s32 @p1 $0x1;
	p0 =	seq.s32 s7, s2  }
0x1e: {  	s7 =	smul.u32 @!p0 $0xF7A, s2;
	p2 =	seq.s32 @!p0 s5, $0x0  }
0x1f: {  	s9 =	smul.u32 $0xF7A, s1;
	s8 =	simm.s32 @!p0 $0x1BF5;
	p2 =	por !p2, p0  }
0x20: {  	[sflag:s8] =	ssyncset.s32 @!p0 $0xFFFFF086;
	s6 =	sadd.s32 @!p0 s3, s7;
	s7 =	simm.s32 @!p0 $0x108  }
0x21: {  	s3 =	sadd.s32 s3, s9;
	s6 =	sadd.s32 @!p0 $0x88, s6;
	s7 =	simm.s32 @p2 $0x1082  }
0x22: {  	[simem:s7], [sflag:s8] =	dma.local @!p0 [hbm:s6], $0xF7A  }
0x23: {  	s9 =	sor.u32 $0xD0000000, s2;
	s6 =	simm.s32 $0x108;
	_ =	swait.ge @!p0 [sflag:s8], $0x0  }
0x24: {  	s3 =	sadd.s32 $0x88, s3;
	s6 =	simm.s32 @!p1 $0x1082;
	[sflag:s4] =	ssyncset.s32 $0xFFFFF086  }
0x25: {  	[simem:s6], [sflag:s4] =	dma.local [hbm:s3], $0xF7A  }
0x26: {  	[smem:$0x3F9E] =	sst s1;
	(tag) =	ssettag s2;
	_ =	strace s9  }
0x27: {  	s1 =	sld [smem:$0x3FAE]  }
0x28: {  	s2 =	sld [smem:$0x3FAF]  }
0x29: {  	s4 =	sld [smem:$0x3FB1]  }
0x2a: {  	p0 =	seq.s32 s5, $0x0;
	s5 =	sld [smem:$0x3FB2]  }
0x2b: {  	s6 =	sld [smem:$0x3FB3]  }
0x2c: {  	s7 =	sld [smem:$0x3FB4]  }
0x2d: {  	s3 =	simm.s32 $0x108;
	s8 =	sld [smem:$0x3FB5]  }
0x2e: {  	s3 =	simm.s32 @!p0 $0x1082;
	s9 =	sld [smem:$0x3FB6]  }
0x2f: {  	lr =	sadd.s32 s0, s3;
	s0 =	sld [smem:$0x3FAD]  }
0x30: {  	s3 =	sld [smem:$0x3FB0]  }
0x31: {  	[smem:$0x3FB9] =	sst s10  }
0x32: {  	s10 =	sld [smem:$0x3FB7];
	_ =	sdelay $0x3  }
0x33: {  	p0 =	seq.s32 s10, $0x1;
	s10 =	sld [smem:$0x3FB9];
	_ =	sdelay $0x3  }
0x34: {  	[smem:$0x3FB9] =	sst s10  }
0x35: {  	s10 =	sld [smem:$0x3FB8];
	_ =	sdelay $0x3  }
0x36: {  	p1 =	seq.s32 s10, $0x1;
	s10 =	sld [smem:$0x3FB9];
	_ =	sdelay $0x3  }
0x37: {  	[smem:$0x3FB9] =	sst s10  }
0x38: {  	s10 =	sld [smem:$0x3FBA]  }
0x39: {  	_ = 	snop;
	(pc) =	sbr.ind lr, $3  }
0x3a: {  	_ = 	snop  }
0x3b: {  	_ = 	snop  }
0x3c: {  	p2 =	seq.s32 s10, $0x1;
	s10 =	sld [smem:$0x3FB9]  }
0x3d: {  	_ =	shalt  }
0x3e: {  	_ =	shalt  }
0x3f: {  	_ =	shalt  }
0x40: {  	_ =	shalt  }
0x41: {  	_ =	shalt  }
0x42: {  	_ =	shalt  }
0x43: {  	_ =	shalt  }
0x44: {  	_ =	shalt  }
0x45: {  	_ =	shalt  }
0x46: {  	_ =	shalt  }
0x47: {  	_ =	shalt  }
0x48: {  	_ =	shalt  }
0x49: {  	_ =	shalt  }
0x4a: {  	_ =	shalt  }
0x4b: {  	_ =	shalt  }
0x4c: {  	_ =	shalt  }
0x4d: {  	_ =	shalt  }
0x4e: {  	_ =	shalt  }
0x4f: {  	_ =	shalt  }
0x50: {  	_ =	shalt  }
0x51: {  	_ =	shalt  }
0x52: {  	_ =	shalt  }
0x53: {  	_ =	shalt  }
0x54: {  	_ =	shalt  }
0x55: {  	_ =	shalt  }
0x56: {  	_ =	shalt  }
0x57: {  	_ =	shalt  }
0x58: {  	_ =	shalt  }
0x59: {  	_ =	shalt  }
0x5a: {  	_ =	shalt  }
0x5b: {  	_ =	shalt  }
0x5c: {  	_ =	shalt  }
0x5d: {  	_ =	shalt  }
0x5e: {  	_ =	shalt  }
0x5f: {  	_ =	shalt  }
0x60: {  	_ =	shalt  }
0x61: {  	_ =	shalt  }
0x62: {  	_ =	shalt  }
0x63: {  	_ =	shalt  }
0x64: {  	_ =	shalt  }
0x65: {  	_ =	shalt  }
0x66: {  	_ =	shalt  }
0x67: {  	_ =	shalt  }
0x68: {  	_ =	shalt  }
0x69: {  	_ =	shalt  }
0x6a: {  	_ =	shalt  }
0x6b: {  	_ =	shalt  }
0x6c: {  	_ =	shalt  }
0x6d: {  	_ =	shalt  }
0x6e: {  	_ =	shalt  }
0x6f: {  	_ =	shalt  }
0x70: {  	_ =	shalt  }
0x71: {  	_ =	shalt  }
0x72: {  	_ =	shalt  }
0x73: {  	_ =	shalt  }
0x74: {  	_ =	shalt  }
0x75: {  	_ =	shalt  }
0x76: {  	_ =	shalt  }
0x77: {  	_ =	shalt  }
0x78: {  	_ =	shalt  }
0x79: {  	_ =	shalt  }
0x7a: {  	_ =	shalt  }
0x7b: {  	_ =	shalt  }
0x7c: {  	_ =	shalt  }
0x7d: {  	_ =	shalt  }
0x7e: {  	_ =	shalt  }
0x7f: {  	_ =	shalt  }
0x80: {  	_ =	shalt  }
0x81: {  	_ =	shalt  }
0x82: {  	_ =	shalt  }
0x83: {  	_ =	shalt  }
0x84: {  	_ =	shalt  }
0x85: {  	_ =	shalt  }
0x86: {  	_ =	shalt  }
0x87: {  	_ =	shalt  }
.Lfunc_end0:
.L_simem_size_0:
called_computation_lowered:
.L_overlay_start_0:
0x88: {  	s2 =	sld [smem:$0x3FD9]  }
0x89: {  	s3 =	sld [smem:$0x3FFE];
	_ =	sdelay $0x1  }
0x8a: {  	s1 =	srdreg.scid  }
0x8b: {  	s0 =	sand.u32 $0x1, s1  }
0x8c: {  	s16 =	sshll.u32 s0, $0xA;
	s2 =	sadd.s32 s3, s2  }
0x8d: {  	s2 =	sadd.s32 s2, s16  }
0x8e: {  	[smem:$0x3FC5] =	sst s2  }
0x8f: {  	_ = 	snop  }
0x90: {  	(tm) =	ssettm $0x1  }
0x91: {  	s17 =	sld [smem:$0x3FFB];
	_ =	sdelay $0x3  }
0x92: {  	_ =	strace s17  }
0x93: {  	s2 =	sld [smem:$0x3FFC];
	_ =	sdelay $0x3  }
0x94: {  	_ =	strace s2  }
0x95: {  	s2 =	sld [smem:$0x3FFD];
	_ =	sdelay $0x3  }
0x96: {  	_ =	strace s2  }
0x97: {  	_ =	strace $0x8FFFFFFF  }
0x98: {  	s18 =	sld [smem:$0x3FDB];
	_ =	sdelay $0x1  }
0x99: {  	s19 =	simm.s32 $_scs_section_size  }
0x9a: {  	s4 =	simm.s32 $_size__tile_overlayer_lowered;
	s5 =	simm.s32 $_tile_overlayer_lowered  }
0x9b: {  	s22 =	simm.s32 $0x1BFF;
	s21 =	sshll.u32 s5, $0x1;
	s2 =	sadd.s32 s19, s18  }
0x9c: {  	s6 =	simm.s32 $0x0;
	s20 =	sshll.u32 s4, $0x1;
	s4 =	sadd.s32 s21, s2  }
0x9d: {  	[timem:s6], [sflag:s22] =	dma.local [hbm:s4], s20  }
0x9e: {  	_ =	swait.ge [sflag:s22], s20  }
0x9f: {  	s3 =	ssub.s32 $0x0, s20;
	[sflag:s22] =	ssyncset.done $0x0  }
0xa0: {  	[sflag:s22] =	ssyncadd.s32 s3;
	_ =	sdelay $0x1  }
0xa1: {  	s23 =	simm.s32 $0x1B8B  }
0xa2: {  	_ =	swait.ge [sflag:s23], $0x1  }
0xa3: {  	[sflag:s23] =	ssyncset.done $0x0  }
0xa4: {  	s25 =	simm.s32 $0x1B8E;
	s24 =	sld [smem:$0x3FFE];
	[sflag:s23] =	ssyncadd.s32 $0xFFFFFFFF  }
0xa5: {  	s26 =	simm.s32 $execute0_lowered;
	[smem:$0x3FD2] =	sst s25  }
0xa6: {  	s4 =	sshll.u32 s26, $0x1;
	_ =	strace $0x80000046;
	[dreg:$0x1] =	wrdreg $0xFFFFFFFF  }
0xa7: {  	s28 =	simm.s32 $_size_execute0_lowered;
	s2 =	sadd.s32 s2, s4;
	[dreg:$0x0] =	wrdreg $0x0  }
0xa8: {  	s4 =	sshll.u32 s28, $0x1;
	[dreg:$0x2] =	wrdreg s2  }
0xa9: {  	[dreg:$0x3] =	wrdreg s4  }
0xaa: {  	[dreg:$0x4] =	wrdreg $0xC0  }
0xab: {  	_ =	task [dreg:s6], $0x5FFFF  }
0xac: {  	[dreg:$0x1] =	wrdreg $0xFFFFFFFF  }
0xad: {  	[dreg:$0x0] =	wrdreg $0x60  }
0xae: {  	[dreg:$0x2] =	wrdreg s24  }
0xaf: {  	[dreg:$0x3] =	wrdreg $0x9  }
0xb0: {  	_ =	task.clear_ibuf [dreg:s6], $0x4FFFF;
	_ =	strace $0x90000046  }
0xb1: {  	s29 =	simm.s32 $0x9;
	_ =	strace $0x80000048  }
0xb2: {  	_ =	swait.ge [sflag:s29], $0x1  }
0xb3: {  	[sflag:s29] =	ssyncadd.s32 $0xFFFFFFFF  }
0xb4: {  	_ =	strace $0x90000048  }
0xb5: {  	_ =	sfence  }
0xb6: {  	s30 =	sld [smem:$0x0];
	_ =	sdelay $0x2  }
0xb7: {  	s31 =	sshll.u32 s1, $0xD;
	s1 =	sshrl.u32 s1, $0x2  }
0xb8: {  	s3 =	sand.u32 $0x4000, s31;
	s1 =	sadd.s32 s1, s30  }
0xb9: {  	s0 =	sor.u32 s3, s0;
	s1 =	sshll.u32 s1, $0x11  }
0xba: {  	s0 =	sor.u32 s1, s0  }
0xbb: {  	s0 =	sadd.s32 $0x8F2B, s0  }
0xbc: {  	[sflag:s0] =	ssyncadd.remote.s32 $0x1  }
0xbd: {  	_ =	sfence.sel $0xFFFF  }
0xbe: {  	[dreg:$0x0] =	wrdreg $0xFFFFFFFF;
	(pc) =	sbr.abs _section_cstart, $3  }
0xbf: {  	[dreg:$0x1] =	wrdreg $0xFFFFFFFF  }
0xc0: {  	_ =	task.clear_ibuf [dreg:s6], $0x2FFFF;
	_ =	strace $0x9FFFFFFF  }
0xc1: {  	(tm) =	ssettm $0x7FFFFFFF  }
tec
execute0_lowered:
.L_overlay_start_1:
0x0: {  	(tag) =	ssettag $0x1  }
0x1: {  	s0 =	srdreg.scid  }
0x2: {  	s4 =	stileid.u32;
	s1 =	rddreg [dreg:$0x0];
	s2 =	simm.s32 $0x0  }
0x3: {  	s0 =	sand.u32 $0x1, s0;
	s3 =	sshll.u32 s4, $0x1;
	[smem:$0x7FF] =	sst s2  }
0x4: {  	s4 =	sshrl.u32 s4, $0x2;
	s5 =	sor.u32 s0, s3;
	_ =	strace $0x80000047  }
0x5: {  	s6 =	sshll.u32 s4, $0x11;
	s8 =	sshll.u32 s4, $0xA;
	s0 =	ssub.s32 $0x2, s0  }
0x6: {  	s4 =	sadd.s32 $0x20C00, s1;
	s3 =	sshll.u32 s5, $0x7;
	s28 =	sshrl.u32 s0, $0x1  }
0x7: {  	s29 =	sshll.u32 s5, $0xC;
	s7 =	sand.u32 $0x380, s3;
	s0 =	ssub.s32 s0, s28  }
0x8: {  	s3 =	sadd.s32 $0xC00, s1;
	s30 =	sor.u32 $0x100, s29;
	s0 =	smax.u32 s0, $0x1  }
0x9: {  	s6 =	sor.u32 s6, s7;
	s11 =	sadd.s32 s3, s29;
	[dreg:$0x8] =	wrdreg s0  }
0xa: {  	s7 =	sor.u32 s8, s7;
	s8 =	sadd.s32 s4, s29;
	[dreg:$0x2] =	wrdreg s11  }
0xb: {  	s12 =	sadd.s32 s3, s30;
	[dreg:$0x3] =	wrdreg s8  }
0xc: {  	s13 =	sadd.s32 $0x10, s11;
	[dreg:$0x4] =	wrdreg s12  }
0xd: {  	s14 =	sadd.s32 $0x20, s11;
	[dreg:$0x9] =	wrdreg s13  }
0xe: {  	s15 =	sadd.s32 $0x30, s11;
	[dreg:$0xa] =	wrdreg s14  }
0xf: {  	s16 =	sadd.s32 $0x40, s11;
	[dreg:$0xb] =	wrdreg s15  }
0x10: {  	s17 =	sadd.s32 $0x50, s11;
	[dreg:$0xc] =	wrdreg s16  }
0x11: {  	s18 =	sadd.s32 $0x60, s11;
	[dreg:$0xd] =	wrdreg s17  }
0x12: {  	s19 =	sadd.s32 $0x70, s11;
	[dreg:$0xe] =	wrdreg s18  }
0x13: {  	s20 =	sadd.s32 $0x80, s11;
	[dreg:$0xf] =	wrdreg s19  }
0x14: {  	s21 =	sadd.s32 $0x90, s11;
	[dreg:$0x10] =	wrdreg s20  }
0x15: {  	s22 =	sadd.s32 $0xA0, s11;
	[dreg:$0x11] =	wrdreg s21  }
0x16: {  	s23 =	sadd.s32 $0xB0, s11;
	[dreg:$0x12] =	wrdreg s22  }
0x17: {  	s5 =	sshll.u32 s5, $0xF;
	s24 =	sadd.s32 $0xC0, s11;
	[dreg:$0x13] =	wrdreg s23  }
0x18: {  	s9 =	sor.u32 $0x1000, s5;
	s25 =	sadd.s32 $0xD0, s11;
	[dreg:$0x14] =	wrdreg s24  }
0x19: {  	s10 =	sor.u32 $0x1800, s5;
	s26 =	sadd.s32 $0xE0, s11;
	[dreg:$0x15] =	wrdreg s25  }
0x1a: {  	s6 =	sshrl.u32 s6, $0x3;
	s28 =	sadd.s32 $0xF0, s11;
	[dreg:$0x16] =	wrdreg s26  }
0x1b: {  	s7 =	sshrl.u32 s7, $0x3;
	s29 =	sadd.s32 $0x10, s8;
	[dreg:$0x17] =	wrdreg s28  }
0x1c: {  	s5 =	sadd.s32 $0x40, s8;
	s11 =	sadd.s32 $0x60, s8;
	[dreg:$0x18] =	wrdreg s29  }
0x1d: {  	s6 =	sadd.s32 s6, s1;
	s1 =	sadd.s32 s7, s1;
	[dreg:$0x1b] =	wrdreg s5  }
0x1e: {  	s7 =	sadd.s32 s4, s30;
	s30 =	sadd.s32 $0x20, s8;
	[dreg:$0x1d] =	wrdreg s11  }
0x1f: {  	s13 =	sadd.s32 $0x70, s8;
	[dreg:$0x19] =	wrdreg s30  }
0x20: {  	s14 =	sadd.s32 $0x80, s8;
	[dreg:$0x1e] =	wrdreg s13  }
0x21: {  	s15 =	sadd.s32 $0x90, s8;
	[dreg:$0x1f] =	wrdreg s14  }
0x22: {  	s16 =	sadd.s32 $0xA0, s8;
	[smem:$0x7D9] =	sst s15  }
0x23: {  	s17 =	sadd.s32 $0xB0, s8;
	[smem:$0x7DA] =	sst s16  }
0x24: {  	s18 =	sadd.s32 $0xC0, s8;
	[smem:$0x7DB] =	sst s17  }
0x25: {  	s19 =	sadd.s32 $0xD0, s8;
	[smem:$0x7DC] =	sst s18  }
0x26: {  	s20 =	sadd.s32 $0xE0, s8;
	[smem:$0x7DD] =	sst s19  }
0x27: {  	s21 =	sadd.s32 $0xF0, s8;
	[smem:$0x7DE] =	sst s20  }
0x28: {  	s22 =	sadd.s32 $0x10, s12;
	[smem:$0x7DF] =	sst s21  }
0x29: {  	s23 =	sadd.s32 $0x20, s12;
	[smem:$0x7E0] =	sst s22  }
0x2a: {  	s24 =	sadd.s32 $0x30, s12;
	[smem:$0x7E1] =	sst s23  }
0x2b: {  	s25 =	sadd.s32 $0x40, s12;
	[smem:$0x7E2] =	sst s24  }
0x2c: {  	s26 =	sadd.s32 $0x50, s12;
	[smem:$0x7E3] =	sst s25  }
0x2d: {  	s28 =	sadd.s32 $0x60, s12;
	[smem:$0x7E4] =	sst s26  }
0x2e: {  	s29 =	sadd.s32 $0x70, s12;
	[smem:$0x7E5] =	sst s28  }
0x2f: {  	s5 =	sadd.s32 $0xA0, s12;
	[smem:$0x7E6] =	sst s29  }
0x30: {  	s11 =	sadd.s32 $0xD0, s12;
	[smem:$0x7E9] =	sst s5  }
0x31: {  	[smem:$0x7EC] =	sst s11  }
0x32: {  	s6 =	sadd.s32 $0x40C00, s6;
	[dreg:$0x5] =	wrdreg s7  }
0x33: {  	s1 =	sadd.s32 $0x50C00, s1;
	[dreg:$0x6] =	wrdreg s6  }
0x34: {  	s30 =	sadd.s32 $0x80, s12;
	[dreg:$0x7] =	wrdreg s1  }
0x35: {  	s13 =	sadd.s32 $0xE0, s12;
	[smem:$0x7E7] =	sst s30  }
0x36: {  	s14 =	sadd.s32 $0xF0, s12;
	[smem:$0x7ED] =	sst s13  }
0x37: {  	s15 =	sadd.s32 $0x10, s7;
	[smem:$0x7EE] =	sst s14  }
0x38: {  	s16 =	sadd.s32 $0x20, s7;
	[smem:$0x7EF] =	sst s15  }
0x39: {  	s17 =	sadd.s32 $0x30, s7;
	[smem:$0x7F0] =	sst s16  }
0x3a: {  	s18 =	sadd.s32 $0x40, s7;
	[smem:$0x7F1] =	sst s17  }
0x3b: {  	s19 =	sadd.s32 $0x50, s7;
	[smem:$0x7F2] =	sst s18  }
0x3c: {  	s20 =	sadd.s32 $0x60, s7;
	[smem:$0x7F3] =	sst s19  }
0x3d: {  	s21 =	sadd.s32 $0x70, s7;
	[smem:$0x7F4] =	sst s20  }
0x3e: {  	s22 =	sadd.s32 $0x80, s7;
	[smem:$0x7F5] =	sst s21  }
0x3f: {  	s23 =	sadd.s32 $0x90, s7;
	[smem:$0x7F6] =	sst s22  }
0x40: {  	s31 =	simm.s32 $0x1480;
	s24 =	sadd.s32 $0xA0, s7;
	[smem:$0x7F7] =	sst s23  }
0x41: {  	s0 =	simm.s32 $0x1680;
	s25 =	sadd.s32 $0xB0, s7;
	[smem:$0x7F8] =	sst s24  }
0x42: {  	s26 =	sadd.s32 $0xC0, s7;
	s28 =	sadd.s32 $0xD0, s7;
	[smem:$0x7F9] =	sst s25  }
0x43: {  	s29 =	sadd.s32 $0xE0, s7;
	s11 =	simm.s32 $0x0;
	[smem:$0x7FA] =	sst s26  }
0x44: {  	s1 =	sadd.s32 $0x30, s8;
	s6 =	sadd.s32 $0x50, s8;
	[smem:$0x7FB] =	sst s28  }
0x45: {  	s8 =	sadd.s32 $0xC0, s12;
	[smem:$0x7FC] =	sst s29;
	s30 =	sadd.s32 $0xF0, s7  }
0x46: {  	s14 =	simm.s32 $0x80;
	s7 =	simm.s32 $0x1280;
	s13 =	simm.s32 $0x1880  }
0x47: {  	s15 =	simm.s32 $0x1980;
	s16 =	simm.s32 $0x1A80;
	s17 =	simm.s32 $0x1B80  }
0x48: {  	s18 =	simm.s32 $0x1C80;
	s19 =	simm.s32 $0x1D80;
	[dreg:$0x1a] =	wrdreg s1  }
0x49: {  	s20 =	simm.s32 $0x1E80;
	s21 =	simm.s32 $0x1F80;
	[dreg:$0x1c] =	wrdreg s6  }
0x4a: {  	s22 =	simm.s32 $0x1;
	s23 =	simm.s32 $0x2000;
	[smem:$0x7EB] =	sst s8  }
0x4b: {  	s24 =	simm.s32 $0x2;
	s1 =	sadd.s32 $0x90, s12;
	[smem:$0x7FD] =	sst s30  }
0x4c: {  	s6 =	sadd.s32 $0xB0, s12;
	s8 =	simm.s32 $0x1380;
	[smem:$0x7E8] =	sst s1  }
0x4d: {  	v0 =	vimm.f32 $0.0e+00;
	v1 =	vimm.f32 $1.000000000e+00;
	s12 =	simm.s32 $0x1780;
	[smem:$0x7EA] =	sst s6;
	s1 =	simm.s32 $0x1580  }
.LBB2_1:
0x4e: {  	[smem:$0x7D8] =	sst s11;
	s11 =	simm.s32 $0x0;
	s25 =	simm.s32 $0x200  }
.LBB2_2:
0x4f: {  	p0 =	sne.s32 s25, $0x3E00;
	[tilespmem:s11+$0x2070] =	vst v0  }
0x50: {  	[tilespmem:s11+$0x2000] =	vst v0  }
0x51: {  	[tilespmem:s11+$0x2010] =	vst v0  }
.Ltmp0:
0x52: {  	[tilespmem:s11+$0x2020] =	vst v0;
	(pc) =	sbr.rel @p0 .LBB2_2-.Ltmp0, $4  }
0x53: {  	[tilespmem:s11+$0x2030] =	vst v0  }
0x54: {  	[tilespmem:s11+$0x2040] =	vst v0  }
0x55: {  	[tilespmem:s11+$0x2050] =	vst v0  }
0x56: {  	[tilespmem:s11+$0x2060] =	vst v0;
	s11 =	sshra.s32 s25, $0x2;
	s25 =	sadd.s32 $0x200, s25  }
0x57: {  	[tilespmem:s11+$0x2070] =	vst v0  }
0x58: {  	[tilespmem:s11+$0x2000] =	vst v0  }
0x59: {  	[tilespmem:s11+$0x2010] =	vst v0  }
0x5a: {  	[tilespmem:s11+$0x2020] =	vst v0  }
0x5b: {  	[tilespmem:s11+$0x2030] =	vst v0  }
0x5c: {  	[tilespmem:s11+$0x2040] =	vst v0  }
0x5d: {  	[tilespmem:s11+$0x2050] =	vst v0  }
0x5e: {  	[tilespmem:s11+$0x2060] =	vst v0;
	s11 =	simm.s32 $0x0;
	s25 =	simm.s32 $0x200  }
.LBB2_4:
0x5f: {  	p0 =	sne.s32 s25, $0x7E00;
	[tilespmem:s11+$0x4070] =	vst v0  }
0x60: {  	[tilespmem:s11+$0x4000] =	vst v0  }
0x61: {  	[tilespmem:s11+$0x4010] =	vst v0  }
.Ltmp1:
0x62: {  	[tilespmem:s11+$0x4020] =	vst v0;
	(pc) =	sbr.rel @p0 .LBB2_4-.Ltmp1, $4  }
0x63: {  	[tilespmem:s11+$0x4030] =	vst v0  }
0x64: {  	[tilespmem:s11+$0x4040] =	vst v0  }
0x65: {  	[tilespmem:s11+$0x4050] =	vst v0  }
0x66: {  	[tilespmem:s11+$0x4060] =	vst v0;
	s11 =	sshra.s32 s25, $0x2;
	s25 =	sadd.s32 $0x200, s25  }
0x67: {  	[tilespmem:s11+$0x4070] =	vst v0  }
0x68: {  	[tilespmem:s11+$0x4000] =	vst v0  }
0x69: {  	[tilespmem:s11+$0x4010] =	vst v0  }
0x6a: {  	[tilespmem:s11+$0x4020] =	vst v0  }
0x6b: {  	[tilespmem:s11+$0x4030] =	vst v0  }
0x6c: {  	[tilespmem:s11+$0x4040] =	vst v0  }
0x6d: {  	[tilespmem:s11+$0x4050] =	vst v0;
	s5 =	rddreg [dreg:$0x2]  }
0x6e: {  	[tilespmem:s11+$0x4060] =	vst v0;
	s25 =	simm.s32 $0x0;
	s28 =	rddreg [dreg:$0x9]  }
0x6f: {  	[tilespmem:s25], [sflag:$0x1] =	stream.linear.gather [hbm4b:s5+s25], $0x80, $0x38;
	[tilespmem:$0x6080] =	vst v63  }
0x70: {  	s6 =	simm.s32 $0x100;
	s29 =	rddreg [dreg:$0xa]  }
0x71: {  	[tilespmem:s6], [sflag:$0x1] =	stream.linear.gather [hbm4b:s28+s25], $0x80, $0x38;
	[tilespmem:$0x6080] =	vst v63  }
0x72: {  	s30 =	simm.s32 $0x200;
	s26 =	rddreg [dreg:$0xc]  }
0x73: {  	[tilespmem:s30], [sflag:$0x1] =	stream.linear.gather [hbm4b:s29+s25], $0x80, $0x38;
	[tilespmem:$0x6080] =	vst v63  }
0x74: {  	s11 =	simm.s32 $0x300;
	s6 =	rddreg [dreg:$0xb]  }
0x75: {  	[tilespmem:s11], [sflag:$0x1] =	stream.linear.gather [hbm4b:s6+s25], $0x80, $0x38;
	[tilespmem:$0x6080] =	vst v63  }
0x76: {  	s28 =	simm.s32 $0x400;
	s29 =	rddreg [dreg:$0xd]  }
0x77: {  	[tilespmem:s28], [sflag:$0x1] =	stream.linear.gather [hbm4b:s26+s25], $0x80, $0x38;
	[tilespmem:$0x6080] =	vst v63  }
0x78: {  	s30 =	simm.s32 $0x500;
	s6 =	rddreg [dreg:$0xe]  }
0x79: {  	[tilespmem:s30], [sflag:$0x1] =	stream.linear.gather [hbm4b:s29+s25], $0x80, $0x38;
	[tilespmem:$0x6080] =	vst v63  }
0x7a: {  	s11 =	simm.s32 $0x600;
	s26 =	rddreg [dreg:$0xf]  }
0x7b: {  	[tilespmem:s11], [sflag:$0x1] =	stream.linear.gather [hbm4b:s6+s25], $0x80, $0x38;
	[tilespmem:$0x6080] =	vst v63  }
0x7c: {  	s28 =	simm.s32 $0x700;
	s29 =	rddreg [dreg:$0x10]  }
0x7d: {  	[tilespmem:s28], [sflag:$0x1] =	stream.linear.gather [hbm4b:s26+s25], $0x80, $0x38;
	[tilespmem:$0x6080] =	vst v63  }
0x7e: {  	s30 =	simm.s32 $0x800;
	s6 =	rddreg [dreg:$0x11]  }
0x7f: {  	[tilespmem:s30], [sflag:$0x1] =	stream.linear.gather [hbm4b:s29+s25], $0x80, $0x38;
	[tilespmem:$0x6080] =	vst v63  }
0x80: {  	s11 =	simm.s32 $0x900;
	s26 =	rddreg [dreg:$0x12]  }
0x81: {  	[tilespmem:s11], [sflag:$0x1] =	stream.linear.gather [hbm4b:s6+s25], $0x80, $0x38;
	[tilespmem:$0x6080] =	vst v63  }
0x82: {  	s28 =	simm.s32 $0xA00;
	s29 =	rddreg [dreg:$0x13]  }
0x83: {  	[tilespmem:s28], [sflag:$0x1] =	stream.linear.gather [hbm4b:s26+s25], $0x80, $0x38;
	[tilespmem:$0x6080] =	vst v63  }
0x84: {  	s30 =	simm.s32 $0xB00;
	s6 =	rddreg [dreg:$0x14]  }
0x85: {  	[tilespmem:s30], [sflag:$0x1] =	stream.linear.gather [hbm4b:s29+s25], $0x80, $0x38;
	[tilespmem:$0x6080] =	vst v63  }
0x86: {  	s11 =	simm.s32 $0xC00;
	s26 =	rddreg [dreg:$0x15]  }
0x87: {  	[tilespmem:s11], [sflag:$0x1] =	stream.linear.gather [hbm4b:s6+s25], $0x80, $0x38;
	[tilespmem:$0x6080] =	vst v63  }
0x88: {  	s28 =	simm.s32 $0xD00;
	s29 =	rddreg [dreg:$0x16]  }
0x89: {  	[tilespmem:s28], [sflag:$0x1] =	stream.linear.gather [hbm4b:s26+s25], $0x80, $0x38;
	[tilespmem:$0x6080] =	vst v63  }
0x8a: {  	s30 =	simm.s32 $0xE00;
	s6 =	rddreg [dreg:$0x17]  }
0x8b: {  	[tilespmem:s30], [sflag:$0x1] =	stream.linear.gather [hbm4b:s29+s25], $0x80, $0x38;
	[tilespmem:$0x6080] =	vst v63  }
0x8c: {  	s11 =	simm.s32 $0xF00;
	s26 =	rddreg [dreg:$0x3]  }
0x8d: {  	[tilespmem:s11], [sflag:$0x1] =	stream.linear.gather [hbm4b:s6+s25], $0x80, $0x38;
	[tilespmem:$0x6080] =	vst v63  }
0x8e: {  	s28 =	simm.s32 $0x1000;
	s29 =	rddreg [dreg:$0x18]  }
0x8f: {  	[tilespmem:s28], [sflag:$0x1] =	stream.linear.gather [hbm4b:s26+s25], $0x80, $0x38;
	[tilespmem:$0x6080] =	vst v63  }
0x90: {  	s30 =	simm.s32 $0x1100;
	s6 =	rddreg [dreg:$0x19]  }
0x91: {  	[tilespmem:s30], [sflag:$0x1] =	stream.linear.gather [hbm4b:s29+s25], $0x80, $0x38;
	[tilespmem:$0x6080] =	vst v63  }
0x92: {  	s11 =	simm.s32 $0x1200;
	s26 =	rddreg [dreg:$0x1a]  }
0x93: {  	[tilespmem:s11], [sflag:$0x1] =	stream.linear.gather [hbm4b:s6+s25], $0x80, $0x38;
	[tilespmem:$0x6080] =	vst v63  }
0x94: {  	s28 =	simm.s32 $0x1300;
	s29 =	rddreg [dreg:$0x1b]  }
0x95: {  	[tilespmem:s28], [sflag:$0x1] =	stream.linear.gather [hbm4b:s26+s25], $0x80, $0x38;
	[tilespmem:$0x6080] =	vst v63  }
0x96: {  	s30 =	simm.s32 $0x1400;
	s6 =	rddreg [dreg:$0x1c]  }
0x97: {  	[tilespmem:s30], [sflag:$0x1] =	stream.linear.gather [hbm4b:s29+s25], $0x80, $0x38;
	[tilespmem:$0x6080] =	vst v63  }
0x98: {  	s11 =	simm.s32 $0x1500;
	s26 =	rddreg [dreg:$0x1d]  }
0x99: {  	[tilespmem:s11], [sflag:$0x1] =	stream.linear.gather [hbm4b:s6+s25], $0x80, $0x38;
	[tilespmem:$0x6080] =	vst v63  }
0x9a: {  	s28 =	simm.s32 $0x1600;
	s29 =	rddreg [dreg:$0x1e]  }
0x9b: {  	[tilespmem:s28], [sflag:$0x1] =	stream.linear.gather [hbm4b:s26+s25], $0x80, $0x38;
	[tilespmem:$0x6080] =	vst v63  }
0x9c: {  	s30 =	simm.s32 $0x1700;
	s6 =	rddreg [dreg:$0x1f]  }
0x9d: {  	[tilespmem:s30], [sflag:$0x1] =	stream.linear.gather [hbm4b:s29+s25], $0x80, $0x38;
	[tilespmem:$0x6080] =	vst v63  }
0x9e: {  	s11 =	simm.s32 $0x1800;
	s26 =	sld [smem:$0x7D9]  }
0x9f: {  	[tilespmem:s11], [sflag:$0x1] =	stream.linear.gather [hbm4b:s6+s25], $0x80, $0x38;
	[tilespmem:$0x6080] =	vst v63  }
0xa0: {  	s28 =	simm.s32 $0x1900;
	s29 =	sld [smem:$0x7DA]  }
0xa1: {  	[tilespmem:s28], [sflag:$0x1] =	stream.linear.gather [hbm4b:s26+s25], $0x80, $0x38;
	[tilespmem:$0x6080] =	vst v63  }
0xa2: {  	s30 =	simm.s32 $0x1A00;
	s6 =	sld [smem:$0x7DB]  }
0xa3: {  	[tilespmem:s30], [sflag:$0x1] =	stream.linear.gather [hbm4b:s29+s25], $0x80, $0x38;
	[tilespmem:$0x6080] =	vst v63  }
0xa4: {  	s11 =	simm.s32 $0x1B00;
	s26 =	sld [smem:$0x7DC]  }
0xa5: {  	[tilespmem:s11], [sflag:$0x1] =	stream.linear.gather [hbm4b:s6+s25], $0x80, $0x38;
	[tilespmem:$0x6080] =	vst v63  }
0xa6: {  	s28 =	simm.s32 $0x1C00;
	s29 =	sld [smem:$0x7DD]  }
0xa7: {  	[tilespmem:s28], [sflag:$0x1] =	stream.linear.gather [hbm4b:s26+s25], $0x80, $0x38;
	[tilespmem:$0x6080] =	vst v63  }
0xa8: {  	s30 =	simm.s32 $0x1D00;
	s11 =	sld [smem:$0x7DE]  }
0xa9: {  	[tilespmem:s30], [sflag:$0x1] =	stream.linear.gather [hbm4b:s29+s25], $0x80, $0x38;
	[tilespmem:$0x6080] =	vst v63  }
0xaa: {  	s26 =	simm.s32 $0x1E00;
	s28 =	sld [smem:$0x7DF]  }
0xab: {  	[tilespmem:s26], [sflag:$0x1] =	stream.linear.gather [hbm4b:s11+s25], $0x80, $0x38;
	[tilespmem:$0x6080] =	vst v63  }
0xac: {  	s6 =	sld [smem:$0x7E0];
	s29 =	simm.s32 $0x1F00  }
0xad: {  	[tilespmem:s29], [sflag:$0x1] =	stream.linear.gather [hbm4b:s28+s25], $0x80, $0x38;
	[tilespmem:$0x6080] =	vst v63  }
0xae: {  	s30 =	rddreg [dreg:$0x4]  }
0xaf: {  	[tilespmem:s14], [sflag:$0x2] =	stream.linear.gather [hbm4b:s30+s25], $0x80, $0x38;
	[tilespmem:$0x6080] =	vst v63  }
0xb0: {  	s11 =	simm.s32 $0x180;
	s26 =	sld [smem:$0x7E1]  }
0xb1: {  	[tilespmem:s11], [sflag:$0x2] =	stream.linear.gather [hbm4b:s6+s25], $0x80, $0x38;
	[tilespmem:$0x6080] =	vst v63  }
0xb2: {  	s28 =	simm.s32 $0x280;
	s29 =	sld [smem:$0x7E2]  }
0xb3: {  	[tilespmem:s28], [sflag:$0x2] =	stream.linear.gather [hbm4b:s26+s25], $0x80, $0x38;
	[tilespmem:$0x6080] =	vst v63  }
0xb4: {  	s30 =	simm.s32 $0x380;
	s6 =	sld [smem:$0x7E3]  }
0xb5: {  	[tilespmem:s30], [sflag:$0x2] =	stream.linear.gather [hbm4b:s29+s25], $0x80, $0x38;
	[tilespmem:$0x6080] =	vst v63  }
0xb6: {  	s11 =	simm.s32 $0x480;
	s26 =	sld [smem:$0x7E4]  }
0xb7: {  	[tilespmem:s11], [sflag:$0x2] =	stream.linear.gather [hbm4b:s6+s25], $0x80, $0x38;
	[tilespmem:$0x6080] =	vst v63  }
0xb8: {  	s28 =	simm.s32 $0x580;
	s29 =	sld [smem:$0x7E5]  }
0xb9: {  	[tilespmem:s28], [sflag:$0x2] =	stream.linear.gather [hbm4b:s26+s25], $0x80, $0x38;
	[tilespmem:$0x6080] =	vst v63  }
0xba: {  	s30 =	simm.s32 $0x680;
	s6 =	sld [smem:$0x7E6]  }
0xbb: {  	[tilespmem:s30], [sflag:$0x2] =	stream.linear.gather [hbm4b:s29+s25], $0x80, $0x38;
	[tilespmem:$0x6080] =	vst v63  }
0xbc: {  	s11 =	simm.s32 $0x780;
	s26 =	sld [smem:$0x7E7]  }
0xbd: {  	[tilespmem:s11], [sflag:$0x2] =	stream.linear.gather [hbm4b:s6+s25], $0x80, $0x38;
	[tilespmem:$0x6080] =	vst v63  }
0xbe: {  	s28 =	simm.s32 $0x880;
	s29 =	sld [smem:$0x7E8]  }
0xbf: {  	[tilespmem:s28], [sflag:$0x2] =	stream.linear.gather [hbm4b:s26+s25], $0x80, $0x38;
	[tilespmem:$0x6080] =	vst v63  }
0xc0: {  	s30 =	simm.s32 $0x980;
	s6 =	sld [smem:$0x7E9]  }
0xc1: {  	[tilespmem:s30], [sflag:$0x2] =	stream.linear.gather [hbm4b:s29+s25], $0x80, $0x38;
	[tilespmem:$0x6080] =	vst v63  }
0xc2: {  	s11 =	simm.s32 $0xA80;
	s26 =	sld [smem:$0x7EA]  }
0xc3: {  	[tilespmem:s11], [sflag:$0x2] =	stream.linear.gather [hbm4b:s6+s25], $0x80, $0x38;
	[tilespmem:$0x6080] =	vst v63  }
0xc4: {  	s28 =	simm.s32 $0xB80;
	s29 =	sld [smem:$0x7EB]  }
0xc5: {  	[tilespmem:s28], [sflag:$0x2] =	stream.linear.gather [hbm4b:s26+s25], $0x80, $0x38;
	[tilespmem:$0x6080] =	vst v63  }
0xc6: {  	s30 =	simm.s32 $0xC80;
	s6 =	sld [smem:$0x7EC]  }
0xc7: {  	[tilespmem:s30], [sflag:$0x2] =	stream.linear.gather [hbm4b:s29+s25], $0x80, $0x38;
	[tilespmem:$0x6080] =	vst v63  }
0xc8: {  	s11 =	simm.s32 $0xD80;
	s26 =	sld [smem:$0x7ED]  }
0xc9: {  	[tilespmem:s11], [sflag:$0x2] =	stream.linear.gather [hbm4b:s6+s25], $0x80, $0x38;
	[tilespmem:$0x6080] =	vst v63  }
0xca: {  	s28 =	simm.s32 $0xE80;
	s29 =	sld [smem:$0x7EE]  }
0xcb: {  	[tilespmem:s28], [sflag:$0x2] =	stream.linear.gather [hbm4b:s26+s25], $0x80, $0x38;
	[tilespmem:$0x6080] =	vst v63  }
0xcc: {  	s30 =	simm.s32 $0xF80;
	s6 =	rddreg [dreg:$0x5]  }
0xcd: {  	[tilespmem:s30], [sflag:$0x2] =	stream.linear.gather [hbm4b:s29+s25], $0x80, $0x38;
	[tilespmem:$0x6080] =	vst v63  }
0xce: {  	s11 =	simm.s32 $0x1080;
	s26 =	sld [smem:$0x7EF]  }
0xcf: {  	[tilespmem:s11], [sflag:$0x2] =	stream.linear.gather [hbm4b:s6+s25], $0x80, $0x38;
	[tilespmem:$0x6080] =	vst v63  }
0xd0: {  	s28 =	simm.s32 $0x1180;
	s29 =	sld [smem:$0x7F0]  }
0xd1: {  	[tilespmem:s28], [sflag:$0x2] =	stream.linear.gather [hbm4b:s26+s25], $0x80, $0x38;
	[tilespmem:$0x6080] =	vst v63  }
0xd2: {  	s30 =	sld [smem:$0x7F1]  }
0xd3: {  	[tilespmem:s7], [sflag:$0x2] =	stream.linear.gather [hbm4b:s29+s25], $0x80, $0x38;
	[tilespmem:$0x6080] =	vst v63  }
0xd4: {  	s6 =	sld [smem:$0x7F2]  }
0xd5: {  	[tilespmem:s8], [sflag:$0x2] =	stream.linear.gather [hbm4b:s30+s25], $0x80, $0x38;
	[tilespmem:$0x6080] =	vst v63  }
0xd6: {  	s11 =	sld [smem:$0x7F3]  }
0xd7: {  	[tilespmem:s31], [sflag:$0x2] =	stream.linear.gather [hbm4b:s6+s25], $0x80, $0x38;
	[tilespmem:$0x6080] =	vst v63  }
0xd8: {  	s26 =	sld [smem:$0x7F4]  }
0xd9: {  	[tilespmem:s1], [sflag:$0x2] =	stream.linear.gather [hbm4b:s11+s25], $0x80, $0x38;
	[tilespmem:$0x6080] =	vst v63  }
0xda: {  	s28 =	sld [smem:$0x7F5]  }
0xdb: {  	[tilespmem:s0], [sflag:$0x2] =	stream.linear.gather [hbm4b:s26+s25], $0x80, $0x38;
	[tilespmem:$0x6080] =	vst v63  }
0xdc: {  	s29 =	sld [smem:$0x7F6]  }
0xdd: {  	[tilespmem:s12], [sflag:$0x2] =	stream.linear.gather [hbm4b:s28+s25], $0x80, $0x38;
	[tilespmem:$0x6080] =	vst v63  }
0xde: {  	s30 =	sld [smem:$0x7F7]  }
0xdf: {  	[tilespmem:s13], [sflag:$0x2] =	stream.linear.gather [hbm4b:s29+s25], $0x80, $0x38;
	[tilespmem:$0x6080] =	vst v63  }
0xe0: {  	s6 =	sld [smem:$0x7F8]  }
0xe1: {  	[tilespmem:s15], [sflag:$0x2] =	stream.linear.gather [hbm4b:s30+s25], $0x80, $0x38;
	[tilespmem:$0x6080] =	vst v63  }
0xe2: {  	s11 =	sld [smem:$0x7F9]  }
0xe3: {  	[tilespmem:s16], [sflag:$0x2] =	stream.linear.gather [hbm4b:s6+s25], $0x80, $0x38;
	[tilespmem:$0x6080] =	vst v63  }
0xe4: {  	s26 =	sld [smem:$0x7FA]  }
0xe5: {  	[tilespmem:s17], [sflag:$0x2] =	stream.linear.gather [hbm4b:s11+s25], $0x80, $0x38;
	[tilespmem:$0x6080] =	vst v63  }
0xe6: {  	s28 =	sld [smem:$0x7FB]  }
0xe7: {  	[tilespmem:s18], [sflag:$0x2] =	stream.linear.gather [hbm4b:s26+s25], $0x80, $0x38;
	[tilespmem:$0x6080] =	vst v63  }
0xe8: {  	s29 =	sld [smem:$0x7FC]  }
0xe9: {  	[tilespmem:s19], [sflag:$0x2] =	stream.linear.gather [hbm4b:s28+s25], $0x80, $0x38;
	[tilespmem:$0x6080] =	vst v63  }
0xea: {  	s30 =	sld [smem:$0x7FD]  }
0xeb: {  	[tilespmem:s20], [sflag:$0x2] =	stream.linear.gather [hbm4b:s29+s25], $0x80, $0x38;
	[tilespmem:$0x6080] =	vst v63  }
0xec: {  	s11 =	simm.s32 $0x0  }
0xed: {  	v2 =	vimm.f32 $0.0e+00;
	[tilespmem:s21], [sflag:$0x2] =	stream.linear.gather [hbm4b:s30+s25], $0x80, $0x38;
	[tilespmem:$0x6080] =	vst v63  }
.LBB2_6:
0xee: {  	_ =	swait.ge [sflag:s22], $0x800  }
0xef: {  	[sflag:s22] =	ssyncset.done $0x0  }
0xf0: {  	[sflag:s22] =	ssyncadd.s32 $0xFFFFF800  }
0xf1: {  	_ =	swait.ge [sflag:s22], $0x800  }
0xf2: {  	s26 =	sand.u32 $0x40, s25;
	s28 =	sand.u32 $0xF00, s25;
	[sflag:s22] =	ssyncset.done $0x0  }
0xf3: {  	s26 =	sor.u32 s26, s28;
	[sflag:s22] =	ssyncadd.s32 $0xFFFFF800  }
0xf4: {  	v3 =	vld [tilespmem:s26+$0x1000];
	_ =	sdelay $0x4  }
0xf5: {  	v4 =	vmul.f32 $1.442695020e+00, v3;
	_ =	sdelay $0x1  }
0xf6: {  	v5 =	vld [tilespmem:s26+$0x0];
	(erf) = vpow2.f32 v4;
	_ =	sdelay $0x4  }
0xf7: {  	vm0 =	vgt.s32 v5, $0x1FFF  }
0xf8: {  	v4 =	vadd.s32 $0x1000, v5;
	_ =	sdelay $0x2  }
0xf9: {  	v6 =	vpop (erf)  }
0xfa: {  	[tilespmem:v5+s23+$0x0] =	vst.idx.add.f32.msk $0xffff, v6  }
0xfb: {  	[tilespmem:v4+s23+$0x0] =	vst.idx.add.f32.msk vm0, v1  }
0xfc: {  	v4 =	vld [tilespmem:s26+$0x1010];
	_ =	sdelay $0x4  }
0xfd: {  	v5 =	vmul.f32 $1.442695020e+00, v4;
	_ =	sdelay $0x1  }
0xfe: {  	v6 =	vld [tilespmem:s26+$0x10];
	(erf) = vpow2.f32 v5;
	_ =	sdelay $0x4  }
0xff: {  	vm1 =	vgt.s32 v6, $0x1FFF  }
0x100: {  	v5 =	vadd.s32 $0x1000, v6;
	_ =	sdelay $0x2  }
0x101: {  	v7 =	vpop (erf)  }
0x102: {  	[tilespmem:v6+s23+$0x0] =	vst.idx.add.f32.msk $0xffff, v7  }
0x103: {  	[tilespmem:v5+s23+$0x0] =	vst.idx.add.f32.msk vm1, v1  }
0x104: {  	v5 =	vld [tilespmem:s26+$0x1020];
	_ =	sdelay $0x4  }
0x105: {  	v60 =	vmul.f32 $1.442695020e+00, v5;
	_ =	sdelay $0x1  }
0x106: {  	v7 =	vld [tilespmem:s26+$0x20];
	(erf) = vpow2.f32 v60;
	_ =	sdelay $0x4  }
0x107: {  	vm2 =	vgt.s32 v7, $0x1FFF  }
0x108: {  	v61 =	vadd.s32 $0x1000, v7;
	_ =	sdelay $0x2  }
0x109: {  	v8 =	vpop (erf)  }
0x10a: {  	[tilespmem:v7+s23+$0x0] =	vst.idx.add.f32.msk $0xffff, v8  }
0x10b: {  	[tilespmem:v61+s23+$0x0] =	vst.idx.add.f32.msk vm2, v1  }
0x10c: {  	v6 =	vld [tilespmem:s26+$0x1030];
	_ =	sdelay $0x4  }
0x10d: {  	v62 =	vmul.f32 $1.442695020e+00, v6;
	_ =	sdelay $0x1  }
0x10e: {  	(erf) = vpow2.f32 v62  }
0x10f: {  	v63 =	vld [tilespmem:s26+$0x30]  }
0x110: {  	v3 =	vnsel vm0, $0x0, v3  }
0x111: {  	v2 =	vadd.f32 v3, v2  }
0x112: {  	v3 =	vnsel vm1, $0x0, v4  }
0x113: {  	v2 =	vadd.f32 v3, v2  }
0x114: {  	v3 =	vnsel vm2, $0x0, v5;
	vm0 =	vgt.s32 v63, $0x1FFF  }
0x115: {  	v2 =	vadd.f32 v3, v2;
	v3 =	vadd.s32 $0x1000, v63;
	_ =	sdelay $0x1  }
0x116: {  	s29 =	simm.s32 $0x40;
	s26 =	simm.s32 $0x80;
	v4 =	vnsel vm0, $0x0, v6;
	v5 =	vpop (erf)  }
0x117: {  	s28 =	simm.s32 $0x80;
	s29 =	sand.u32 $0x40, s29;
	s30 =	sand.u32 $0xF00, s26;
	v2 =	vadd.f32 v4, v2;
	[tilespmem:v63+s23+$0x0] =	vst.idx.add.f32.msk $0xffff, v5  }
.LBB2_7:
0x118: {  	p0 =	sne.s32 s28, $0x7C0  }
0x119: {  	s30 =	sor.u32 s29, s30;
	[tilespmem:v3+s23+$0x0] =	vst.idx.add.f32.msk vm0, v1;
	s29 =	smov.u32 s28;
	s28 =	sadd.s32 $0x40, s28  }
0x11a: {  	v3 =	vld [tilespmem:s30+$0x1000];
	_ =	sdelay $0x4  }
0x11b: {  	v4 =	vmul.f32 $1.442695020e+00, v3;
	_ =	sdelay $0x1  }
0x11c: {  	v5 =	vld [tilespmem:s30+$0x0];
	(erf) = vpow2.f32 v4;
	_ =	sdelay $0x4  }
0x11d: {  	vm0 =	vgt.s32 v5, $0x1FFF;
	v4 =	vadd.s32 $0x1000, v5  }
0x11e: {  	v3 =	vnsel vm0, $0x0, v3;
	_ =	sdelay $0x2  }
0x11f: {  	v6 =	vpop (erf)  }
0x120: {  	[tilespmem:v5+s23+$0x0] =	vst.idx.add.f32.msk $0xffff, v6  }
0x121: {  	[tilespmem:v4+s23+$0x0] =	vst.idx.add.f32.msk vm0, v1  }
0x122: {  	v4 =	vld [tilespmem:s30+$0x1010];
	_ =	sdelay $0x4  }
0x123: {  	v5 =	vmul.f32 $1.442695020e+00, v4;
	_ =	sdelay $0x1  }
0x124: {  	v6 =	vld [tilespmem:s30+$0x10];
	(erf) = vpow2.f32 v5;
	_ =	sdelay $0x4  }
0x125: {  	vm0 =	vgt.s32 v6, $0x1FFF;
	v5 =	vadd.s32 $0x1000, v6  }
0x126: {  	v4 =	vnsel vm0, $0x0, v4;
	_ =	sdelay $0x2  }
0x127: {  	v7 =	vpop (erf)  }
0x128: {  	[tilespmem:v6+s23+$0x0] =	vst.idx.add.f32.msk $0xffff, v7  }
0x129: {  	[tilespmem:v5+s23+$0x0] =	vst.idx.add.f32.msk vm0, v1  }
0x12a: {  	v5 =	vld [tilespmem:s30+$0x1020];
	_ =	sdelay $0x4  }
0x12b: {  	v6 =	vmul.f32 $1.442695020e+00, v5;
	_ =	sdelay $0x1  }
0x12c: {  	v7 =	vld [tilespmem:s30+$0x20];
	(erf) = vpow2.f32 v6;
	_ =	sdelay $0x4  }
0x12d: {  	vm0 =	vgt.s32 v7, $0x1FFF  }
0x12e: {  	v6 =	vadd.s32 $0x1000, v7;
	v5 =	vnsel vm0, $0x0, v5;
	_ =	sdelay $0x2  }
0x12f: {  	v8 =	vpop (erf)  }
0x130: {  	[tilespmem:v7+s23+$0x0] =	vst.idx.add.f32.msk $0xffff, v8  }
0x131: {  	[tilespmem:v6+s23+$0x0] =	vst.idx.add.f32.msk vm0, v1  }
0x132: {  	v6 =	vld [tilespmem:s30+$0x1030]  }
0x133: {  	v7 =	vld [tilespmem:s30+$0x30]  }
0x134: {  	v2 =	vadd.f32 v3, v2;
	_ =	sdelay $0x1  }
0x135: {  	v2 =	vadd.f32 v4, v2  }
0x136: {  	v4 =	vmul.f32 $1.442695020e+00, v6  }
0x137: {  	v2 =	vadd.f32 v5, v2;
	vm0 =	vgt.s32 v7, $0x1FFF;
	v3 =	vadd.s32 $0x1000, v7  }
0x138: {  	v5 =	vnsel vm0, $0x0, v6;
	(erf) = vpow2.f32 v4  }
0x139: {  	v2 =	vadd.f32 v5, v2;
	_ =	sdelay $0x4  }
.Ltmp2:
0x13a: {  	(pc) =	sbr.rel @p0 .LBB2_7-.Ltmp2, $3  }
0x13b: {  	_ =	sdelay $0x1  }
0x13c: {  	s26 =	sadd.s32 $0x80, s26;
	v4 =	vpop (erf)  }
0x13d: {  	s29 =	sand.u32 $0x40, s29;
	s30 =	sand.u32 $0xF00, s26;
	[tilespmem:v7+s23+$0x0] =	vst.idx.add.f32.msk $0xffff, v4  }
0x13e: {  	_ =	sdelay $0x4  }
0x13f: {  	s26 =	sor.u32 s29, s30;
	[tilespmem:v3+s23+$0x0] =	vst.idx.add.f32.msk vm0, v1  }
0x140: {  	v3 =	vld [tilespmem:s26+$0x1000];
	_ =	sdelay $0x4  }
0x141: {  	v4 =	vmul.f32 $1.442695020e+00, v3;
	_ =	sdelay $0x1  }
0x142: {  	v5 =	vld [tilespmem:s26+$0x0];
	(erf) = vpow2.f32 v4;
	_ =	sdelay $0x4  }
0x143: {  	vm0 =	vgt.s32 v5, $0x1FFF  }
0x144: {  	v4 =	vadd.s32 $0x1000, v5;
	_ =	sdelay $0x2  }
0x145: {  	v6 =	vpop (erf)  }
0x146: {  	[tilespmem:v5+s23+$0x0] =	vst.idx.add.f32.msk $0xffff, v6  }
0x147: {  	[tilespmem:v4+s23+$0x0] =	vst.idx.add.f32.msk vm0, v1  }
0x148: {  	v4 =	vld [tilespmem:s26+$0x1010];
	_ =	sdelay $0x4  }
0x149: {  	v5 =	vmul.f32 $1.442695020e+00, v4;
	_ =	sdelay $0x1  }
0x14a: {  	v6 =	vld [tilespmem:s26+$0x10];
	(erf) = vpow2.f32 v5;
	_ =	sdelay $0x4  }
0x14b: {  	vm1 =	vgt.s32 v6, $0x1FFF  }
0x14c: {  	v5 =	vadd.s32 $0x1000, v6;
	_ =	sdelay $0x2  }
0x14d: {  	v7 =	vpop (erf)  }
0x14e: {  	[tilespmem:v6+s23+$0x0] =	vst.idx.add.f32.msk $0xffff, v7  }
0x14f: {  	[tilespmem:v5+s23+$0x0] =	vst.idx.add.f32.msk vm1, v1  }
0x150: {  	v5 =	vld [tilespmem:s26+$0x1020];
	_ =	sdelay $0x4  }
0x151: {  	v51 =	vmul.f32 $1.442695020e+00, v5;
	_ =	sdelay $0x1  }
0x152: {  	v7 =	vld [tilespmem:s26+$0x20];
	(erf) = vpow2.f32 v51;
	_ =	sdelay $0x4  }
0x153: {  	vm2 =	vgt.s32 v7, $0x1FFF  }
0x154: {  	v52 =	vadd.s32 $0x1000, v7;
	_ =	sdelay $0x2  }
0x155: {  	v8 =	vpop (erf)  }
0x156: {  	[tilespmem:v7+s23+$0x0] =	vst.idx.add.f32.msk $0xffff, v8  }
0x157: {  	[tilespmem:v52+s23+$0x0] =	vst.idx.add.f32.msk vm2, v1  }
0x158: {  	v6 =	vld [tilespmem:s26+$0x1030];
	_ =	sdelay $0x4  }
0x159: {  	v53 =	vmul.f32 $1.442695020e+00, v6;
	_ =	sdelay $0x1  }
0x15a: {  	v8 =	vld [tilespmem:s26+$0x30];
	(erf) = vpow2.f32 v53;
	_ =	sdelay $0x4  }
0x15b: {  	vm3 =	vgt.s32 v8, $0x1FFF  }
0x15c: {  	v54 =	vadd.s32 $0x1000, v8;
	_ =	sdelay $0x1  }
0x15d: {  	s26 =	sshll.u32 s11, $0xC  }
0x15e: {  	s28 =	sadd.s32 s26, s9;
	v9 =	vpop (erf)  }
0x15f: {  	s29 =	sshrl.u32 s28, $0x3;
	[tilespmem:v8+s23+$0x0] =	vst.idx.add.f32.msk $0xffff, v9  }
0x160: {  	s28 =	simm.s32 $0x0;
	s30 =	sadd.s32 s3, s29;
	[tilespmem:v54+s23+$0x0] =	vst.idx.add.f32.msk vm3, v1  }
0x161: {  	[tilespmem:s28], [sflag:$0x1] =	stream.linear.gather [hbm4b:s30+s28], $0x80, $0x38;
	[tilespmem:$0x6080] =	vst v63  }
0x162: {  	s6 =	simm.s32 $0x100;
	s5 =	sadd.s32 $0x10, s30  }
0x163: {  	[tilespmem:s6], [sflag:$0x1] =	stream.linear.gather [hbm4b:s5+s28], $0x80, $0x38;
	[tilespmem:$0x6080] =	vst v63  }
0x164: {  	s5 =	sadd.s32 $0x20, s30;
	s6 =	simm.s32 $0x200  }
0x165: {  	[tilespmem:s6], [sflag:$0x1] =	stream.linear.gather [hbm4b:s5+s28], $0x80, $0x38;
	[tilespmem:$0x6080] =	vst v63  }
0x166: {  	s5 =	sadd.s32 $0x30, s30;
	s6 =	simm.s32 $0x300  }
0x167: {  	[tilespmem:s6], [sflag:$0x1] =	stream.linear.gather [hbm4b:s5+s28], $0x80, $0x38;
	[tilespmem:$0x6080] =	vst v63  }
0x168: {  	s5 =	sadd.s32 $0x40, s30;
	s6 =	simm.s32 $0x400  }
0x169: {  	[tilespmem:s6], [sflag:$0x1] =	stream.linear.gather [hbm4b:s5+s28], $0x80, $0x38;
	[tilespmem:$0x6080] =	vst v63  }
0x16a: {  	s5 =	sadd.s32 $0x50, s30;
	s6 =	simm.s32 $0x500  }
0x16b: {  	[tilespmem:s6], [sflag:$0x1] =	stream.linear.gather [hbm4b:s5+s28], $0x80, $0x38;
	[tilespmem:$0x6080] =	vst v63  }
0x16c: {  	s5 =	sadd.s32 $0x60, s30;
	s6 =	simm.s32 $0x600  }
0x16d: {  	[tilespmem:s6], [sflag:$0x1] =	stream.linear.gather [hbm4b:s5+s28], $0x80, $0x38;
	[tilespmem:$0x6080] =	vst v63  }
0x16e: {  	s5 =	sadd.s32 $0x70, s30;
	s6 =	simm.s32 $0x700  }
0x16f: {  	[tilespmem:s6], [sflag:$0x1] =	stream.linear.gather [hbm4b:s5+s28], $0x80, $0x38;
	[tilespmem:$0x6080] =	vst v63  }
0x170: {  	s5 =	sadd.s32 $0x80, s30;
	s6 =	simm.s32 $0x800  }
0x171: {  	[tilespmem:s6], [sflag:$0x1] =	stream.linear.gather [hbm4b:s5+s28], $0x80, $0x38;
	[tilespmem:$0x6080] =	vst v63  }
0x172: {  	s5 =	sadd.s32 $0x90, s30;
	s6 =	simm.s32 $0x900  }
0x173: {  	[tilespmem:s6], [sflag:$0x1] =	stream.linear.gather [hbm4b:s5+s28], $0x80, $0x38;
	[tilespmem:$0x6080] =	vst v63  }
0x174: {  	s5 =	sadd.s32 $0xA0, s30;
	s6 =	simm.s32 $0xA00  }
0x175: {  	[tilespmem:s6], [sflag:$0x1] =	stream.linear.gather [hbm4b:s5+s28], $0x80, $0x38;
	[tilespmem:$0x6080] =	vst v63  }
0x176: {  	s5 =	sadd.s32 $0xB0, s30;
	s6 =	simm.s32 $0xB00  }
0x177: {  	[tilespmem:s6], [sflag:$0x1] =	stream.linear.gather [hbm4b:s5+s28], $0x80, $0x38;
	[tilespmem:$0x6080] =	vst v63  }
0x178: {  	s5 =	sadd.s32 $0xC0, s30;
	s6 =	simm.s32 $0xC00  }
0x179: {  	[tilespmem:s6], [sflag:$0x1] =	stream.linear.gather [hbm4b:s5+s28], $0x80, $0x38;
	[tilespmem:$0x6080] =	vst v63  }
0x17a: {  	s5 =	sadd.s32 $0xD0, s30;
	s6 =	simm.s32 $0xD00  }
0x17b: {  	[tilespmem:s6], [sflag:$0x1] =	stream.linear.gather [hbm4b:s5+s28], $0x80, $0x38;
	[tilespmem:$0x6080] =	vst v63  }
0x17c: {  	s5 =	sadd.s32 $0xE0, s30;
	s6 =	simm.s32 $0xE00  }
0x17d: {  	[tilespmem:s6], [sflag:$0x1] =	stream.linear.gather [hbm4b:s5+s28], $0x80, $0x38;
	[tilespmem:$0x6080] =	vst v63  }
0x17e: {  	s5 =	sadd.s32 $0xF0, s30;
	s6 =	simm.s32 $0xF00  }
0x17f: {  	[tilespmem:s6], [sflag:$0x1] =	stream.linear.gather [hbm4b:s5+s28], $0x80, $0x38;
	[tilespmem:$0x6080] =	vst v63  }
0x180: {  	s5 =	sadd.s32 s4, s29;
	s6 =	simm.s32 $0x1000  }
0x181: {  	[tilespmem:s6], [sflag:$0x1] =	stream.linear.gather [hbm4b:s5+s28], $0x80, $0x38;
	[tilespmem:$0x6080] =	vst v63  }
0x182: {  	s29 =	sadd.s32 $0x10, s5;
	s6 =	simm.s32 $0x1100  }
0x183: {  	[tilespmem:s6], [sflag:$0x1] =	stream.linear.gather [hbm4b:s29+s28], $0x80, $0x38;
	[tilespmem:$0x6080] =	vst v63  }
0x184: {  	s29 =	sadd.s32 $0x20, s5;
	s6 =	simm.s32 $0x1200  }
0x185: {  	[tilespmem:s6], [sflag:$0x1] =	stream.linear.gather [hbm4b:s29+s28], $0x80, $0x38;
	[tilespmem:$0x6080] =	vst v63  }
0x186: {  	s29 =	sadd.s32 $0x30, s5;
	s6 =	simm.s32 $0x1300  }
0x187: {  	[tilespmem:s6], [sflag:$0x1] =	stream.linear.gather [hbm4b:s29+s28], $0x80, $0x38;
	[tilespmem:$0x6080] =	vst v63  }
0x188: {  	s29 =	sadd.s32 $0x40, s5;
	s6 =	simm.s32 $0x1400  }
0x189: {  	[tilespmem:s6], [sflag:$0x1] =	stream.linear.gather [hbm4b:s29+s28], $0x80, $0x38;
	[tilespmem:$0x6080] =	vst v63  }
0x18a: {  	s29 =	sadd.s32 $0x50, s5;
	s6 =	simm.s32 $0x1500  }
0x18b: {  	[tilespmem:s6], [sflag:$0x1] =	stream.linear.gather [hbm4b:s29+s28], $0x80, $0x38;
	[tilespmem:$0x6080] =	vst v63  }
0x18c: {  	s29 =	sadd.s32 $0x60, s5;
	s6 =	simm.s32 $0x1600  }
0x18d: {  	[tilespmem:s6], [sflag:$0x1] =	stream.linear.gather [hbm4b:s29+s28], $0x80, $0x38;
	[tilespmem:$0x6080] =	vst v63  }
0x18e: {  	s29 =	sadd.s32 $0x70, s5;
	s6 =	simm.s32 $0x1700  }
0x18f: {  	[tilespmem:s6], [sflag:$0x1] =	stream.linear.gather [hbm4b:s29+s28], $0x80, $0x38;
	[tilespmem:$0x6080] =	vst v63  }
0x190: {  	s29 =	sadd.s32 $0x80, s5;
	s6 =	simm.s32 $0x1800  }
0x191: {  	[tilespmem:s6], [sflag:$0x1] =	stream.linear.gather [hbm4b:s29+s28], $0x80, $0x38;
	[tilespmem:$0x6080] =	vst v63  }
0x192: {  	s29 =	sadd.s32 $0x90, s5;
	s6 =	simm.s32 $0x1900  }
0x193: {  	[tilespmem:s6], [sflag:$0x1] =	stream.linear.gather [hbm4b:s29+s28], $0x80, $0x38;
	[tilespmem:$0x6080] =	vst v63  }
0x194: {  	s29 =	sadd.s32 $0xA0, s5;
	s6 =	simm.s32 $0x1A00  }
0x195: {  	[tilespmem:s6], [sflag:$0x1] =	stream.linear.gather [hbm4b:s29+s28], $0x80, $0x38;
	[tilespmem:$0x6080] =	vst v63  }
0x196: {  	s29 =	sadd.s32 $0xB0, s5;
	s6 =	simm.s32 $0x1B00  }
0x197: {  	[tilespmem:s6], [sflag:$0x1] =	stream.linear.gather [hbm4b:s29+s28], $0x80, $0x38;
	[tilespmem:$0x6080] =	vst v63  }
0x198: {  	s29 =	sadd.s32 $0xC0, s5;
	s6 =	simm.s32 $0x1C00  }
0x199: {  	[tilespmem:s6], [sflag:$0x1] =	stream.linear.gather [hbm4b:s29+s28], $0x80, $0x38;
	[tilespmem:$0x6080] =	vst v63  }
0x19a: {  	s29 =	sadd.s32 $0xD0, s5;
	s6 =	simm.s32 $0x1D00  }
0x19b: {  	[tilespmem:s6], [sflag:$0x1] =	stream.linear.gather [hbm4b:s29+s28], $0x80, $0x38;
	[tilespmem:$0x6080] =	vst v63  }
0x19c: {  	s29 =	sadd.s32 $0xE0, s5;
	s6 =	simm.s32 $0x1E00  }
0x19d: {  	[tilespmem:s6], [sflag:$0x1] =	stream.linear.gather [hbm4b:s29+s28], $0x80, $0x38;
	[tilespmem:$0x6080] =	vst v63  }
0x19e: {  	s5 =	sadd.s32 $0xF0, s5;
	s6 =	simm.s32 $0x1F00  }
0x19f: {  	[tilespmem:s6], [sflag:$0x1] =	stream.linear.gather [hbm4b:s5+s28], $0x80, $0x38;
	[tilespmem:$0x6080] =	vst v63  }
0x1a0: {  	_ =	swait.ge [sflag:s24], $0x800  }
0x1a1: {  	p0 =	por $0x0, $0x0;
	s5 =	simm.s32 $0x1;
	[sflag:s24] =	ssyncset.done $0x0  }
0x1a2: {  	s5 =	simm.s32 @!p0 $0x0;
	[sflag:s24] =	ssyncadd.s32 $0xFFFFF800  }
0x1a3: {  	s5 =	sshll.u32 s5, $0x6;
	_ =	swait.ge [sflag:s24], $0x800  }
0x1a4: {  	s5 =	sadd.s32 $0x0, s5;
	[sflag:s24] =	ssyncset.done $0x0  }
0x1a5: {  	s28 =	sor.u32 $0x80, s5;
	[sflag:s24] =	ssyncadd.s32 $0xFFFFF800  }
0x1a6: {  	v55 =	vld [tilespmem:s28+$0x1000];
	_ =	sdelay $0x4  }
0x1a7: {  	v56 =	vmul.f32 $1.442695020e+00, v55;
	_ =	sdelay $0x1  }
0x1a8: {  	v57 =	vld [tilespmem:s28+$0x0];
	(erf) = vpow2.f32 v56;
	_ =	sdelay $0x4  }
0x1a9: {  	vm4 =	vgt.s32 v57, $0x1FFF  }
0x1aa: {  	v58 =	vadd.s32 $0x1000, v57;
	_ =	sdelay $0x2  }
0x1ab: {  	v10 =	vpop (erf)  }
0x1ac: {  	[tilespmem:v57+s23+$0x0] =	vst.idx.add.f32.msk $0xffff, v10  }
0x1ad: {  	s28 =	sor.u32 $0x90, s5;
	[tilespmem:v58+s23+$0x0] =	vst.idx.add.f32.msk vm4, v1  }
0x1ae: {  	v8 =	vld [tilespmem:s28+$0x1000];
	_ =	sdelay $0x4  }
0x1af: {  	v59 =	vmul.f32 $1.442695020e+00, v8;
	_ =	sdelay $0x1  }
0x1b0: {  	v10 =	vld [tilespmem:s28+$0x0];
	(erf) = vpow2.f32 v59;
	_ =	sdelay $0x4  }
0x1b1: {  	vm5 =	vgt.s32 v10, $0x1FFF  }
0x1b2: {  	v60 =	vadd.s32 $0x1000, v10;
	_ =	sdelay $0x2  }
0x1b3: {  	v11 =	vpop (erf)  }
0x1b4: {  	[tilespmem:v10+s23+$0x0] =	vst.idx.add.f32.msk $0xffff, v11  }
0x1b5: {  	s28 =	sor.u32 $0xA0, s5;
	[tilespmem:v60+s23+$0x0] =	vst.idx.add.f32.msk vm5, v1  }
0x1b6: {  	v9 =	vld [tilespmem:s28+$0x1000];
	_ =	sdelay $0x4  }
0x1b7: {  	v61 =	vmul.f32 $1.442695020e+00, v9;
	_ =	sdelay $0x1  }
0x1b8: {  	v11 =	vld [tilespmem:s28+$0x0];
	(erf) = vpow2.f32 v61;
	_ =	sdelay $0x4  }
0x1b9: {  	vm6 =	vgt.s32 v11, $0x1FFF  }
0x1ba: {  	v62 =	vadd.s32 $0x1000, v11;
	_ =	sdelay $0x2  }
0x1bb: {  	v12 =	vpop (erf)  }
0x1bc: {  	[tilespmem:v11+s23+$0x0] =	vst.idx.add.f32.msk $0xffff, v12  }
0x1bd: {  	s5 =	sor.u32 $0xB0, s5;
	[tilespmem:v62+s23+$0x0] =	vst.idx.add.f32.msk vm6, v1  }
0x1be: {  	v10 =	vld [tilespmem:s5+$0x1000]  }
0x1bf: {  	v3 =	vnsel vm0, $0x0, v3  }
0x1c0: {  	v2 =	vadd.f32 v3, v2  }
0x1c1: {  	v3 =	vnsel vm1, $0x0, v4  }
0x1c2: {  	v2 =	vadd.f32 v3, v2  }
0x1c3: {  	v4 =	vnsel vm2, $0x0, v5;
	v3 =	vmul.f32 $1.442695020e+00, v10  }
0x1c4: {  	v2 =	vadd.f32 v4, v2  }
0x1c5: {  	(erf) = vpow2.f32 v3;
	v3 =	vnsel vm3, $0x0, v6  }
0x1c6: {  	v4 =	vld [tilespmem:s5+$0x0];
	v2 =	vadd.f32 v3, v2  }
0x1c7: {  	v3 =	vnsel vm4, $0x0, v55  }
0x1c8: {  	v2 =	vadd.f32 v3, v2  }
0x1c9: {  	v3 =	vnsel vm5, $0x0, v8  }
0x1ca: {  	v2 =	vadd.f32 v3, v2  }
0x1cb: {  	vm0 =	vgt.s32 v4, $0x1FFF;
	v3 =	vnsel vm6, $0x0, v9  }
0x1cc: {  	v2 =	vadd.f32 v3, v2;
	v3 =	vadd.s32 $0x1000, v4  }
0x1cd: {  	p0 =	por !p0, !p0;
	s5 =	simm.s32 $0x1  }
0x1ce: {  	s5 =	simm.s32 @!p0 $0x0  }
0x1cf: {  	s5 =	sshll.u32 s5, $0x6;
	v5 =	vnsel vm0, $0x0, v10;
	v63 =	vpop (erf)  }
0x1d0: {  	s29 =	simm.s32 $0x80;
	s28 =	simm.s32 $0x80;
	s30 =	sadd.s32 $0x80, s5;
	v2 =	vadd.f32 v5, v2;
	[tilespmem:v4+s23+$0x0] =	vst.idx.add.f32.msk $0xffff, v63  }
.LBB2_9:
0x1d1: {  	p1 =	sne.s32 s28, $0x7C0;
	s28 =	sadd.s32 $0x40, s28;
	s5 =	sor.u32 $0x80, s30;
	[tilespmem:v3+s23+$0x0] =	vst.idx.add.f32.msk vm0, v1  }
0x1d2: {  	v3 =	vld [tilespmem:s5+$0x1000];
	_ =	sdelay $0x4  }
0x1d3: {  	v4 =	vmul.f32 $1.442695020e+00, v3;
	_ =	sdelay $0x1  }
0x1d4: {  	v5 =	vld [tilespmem:s5+$0x0];
	(erf) = vpow2.f32 v4;
	_ =	sdelay $0x4  }
0x1d5: {  	vm0 =	vgt.s32 v5, $0x1FFF  }
0x1d6: {  	v4 =	vadd.s32 $0x1000, v5;
	v3 =	vnsel vm0, $0x0, v3;
	_ =	sdelay $0x2  }
0x1d7: {  	v6 =	vpop (erf)  }
0x1d8: {  	[tilespmem:v5+s23+$0x0] =	vst.idx.add.f32.msk $0xffff, v6  }
0x1d9: {  	s5 =	sor.u32 $0x90, s30;
	[tilespmem:v4+s23+$0x0] =	vst.idx.add.f32.msk vm0, v1  }
0x1da: {  	v4 =	vld [tilespmem:s5+$0x1000];
	_ =	sdelay $0x4  }
0x1db: {  	v5 =	vmul.f32 $1.442695020e+00, v4;
	_ =	sdelay $0x1  }
0x1dc: {  	v6 =	vld [tilespmem:s5+$0x0];
	(erf) = vpow2.f32 v5;
	_ =	sdelay $0x4  }
0x1dd: {  	vm0 =	vgt.s32 v6, $0x1FFF  }
0x1de: {  	v5 =	vadd.s32 $0x1000, v6;
	v4 =	vnsel vm0, $0x0, v4;
	_ =	sdelay $0x2  }
0x1df: {  	v7 =	vpop (erf)  }
0x1e0: {  	[tilespmem:v6+s23+$0x0] =	vst.idx.add.f32.msk $0xffff, v7  }
0x1e1: {  	s5 =	sor.u32 $0xA0, s30;
	[tilespmem:v5+s23+$0x0] =	vst.idx.add.f32.msk vm0, v1  }
0x1e2: {  	v5 =	vld [tilespmem:s5+$0x1000];
	_ =	sdelay $0x4  }
0x1e3: {  	v6 =	vmul.f32 $1.442695020e+00, v5;
	_ =	sdelay $0x1  }
0x1e4: {  	v7 =	vld [tilespmem:s5+$0x0];
	(erf) = vpow2.f32 v6;
	_ =	sdelay $0x4  }
0x1e5: {  	vm0 =	vgt.s32 v7, $0x1FFF  }
0x1e6: {  	v6 =	vadd.s32 $0x1000, v7;
	v5 =	vnsel vm0, $0x0, v5;
	_ =	sdelay $0x2  }
0x1e7: {  	v8 =	vpop (erf)  }
0x1e8: {  	[tilespmem:v7+s23+$0x0] =	vst.idx.add.f32.msk $0xffff, v8  }
0x1e9: {  	s5 =	sor.u32 $0xB0, s30;
	[tilespmem:v6+s23+$0x0] =	vst.idx.add.f32.msk vm0, v1  }
0x1ea: {  	v6 =	vld [tilespmem:s5+$0x1000]  }
0x1eb: {  	v7 =	vld [tilespmem:s5+$0x0];
	_ =	sdelay $0x3  }
0x1ec: {  	v8 =	vmul.f32 $1.442695020e+00, v6;
	_ =	sdelay $0x1  }
0x1ed: {  	(erf) = vpow2.f32 v8  }
0x1ee: {  	v2 =	vadd.f32 v3, v2;
	_ =	sdelay $0x1  }
0x1ef: {  	v2 =	vadd.f32 v4, v2;
	_ =	sdelay $0x1  }
0x1f0: {  	v2 =	vadd.f32 v5, v2;
	vm0 =	vgt.s32 v7, $0x1FFF  }
.Ltmp3:
0x1f1: {  	v3 =	vadd.s32 $0x1000, v7;
	v4 =	vnsel vm0, $0x0, v6;
	(pc) =	sbr.rel @p1 .LBB2_9-.Ltmp3, $4  }
0x1f2: {  	p0 =	por !p0, !p0;
	s5 =	simm.s32 $0x1;
	v2 =	vadd.f32 v4, v2  }
0x1f3: {  	s5 =	simm.s32 @!p0 $0x0  }
0x1f4: {  	s29 =	sadd.s32 $0x80, s29;
	s5 =	sshll.u32 s5, $0x6;
	v4 =	vpop (erf)  }
0x1f5: {  	s30 =	sadd.s32 s5, s29;
	[tilespmem:v7+s23+$0x0] =	vst.idx.add.f32.msk $0xffff, v4  }
0x1f6: {  	_ =	sdelay $0x4  }
0x1f7: {  	s5 =	sor.u32 $0x80, s30;
	[tilespmem:v3+s23+$0x0] =	vst.idx.add.f32.msk vm0, v1  }
0x1f8: {  	v3 =	vld [tilespmem:s5+$0x1000];
	_ =	sdelay $0x4  }
0x1f9: {  	v4 =	vmul.f32 $1.442695020e+00, v3;
	_ =	sdelay $0x1  }
0x1fa: {  	v5 =	vld [tilespmem:s5+$0x0];
	(erf) = vpow2.f32 v4;
	_ =	sdelay $0x4  }
0x1fb: {  	vm15 =	vgt.s32 v5, $0x1FFF  }
0x1fc: {  	v57 =	vadd.s32 $0x1000, v5;
	_ =	sdelay $0x2  }
0x1fd: {  	v6 =	vpop (erf)  }
0x1fe: {  	[tilespmem:v5+s23+$0x0] =	vst.idx.add.f32.msk $0xffff, v6  }
0x1ff: {  	s28 =	sor.u32 $0x90, s30;
	[tilespmem:v57+s23+$0x0] =	vst.idx.add.f32.msk vm15, v1  }
0x200: {  	v4 =	vld [tilespmem:s28+$0x1000];
	_ =	sdelay $0x4  }
0x201: {  	v58 =	vmul.f32 $1.442695020e+00, v4;
	_ =	sdelay $0x1  }
0x202: {  	v6 =	vld [tilespmem:s28+$0x0];
	(erf) = vpow2.f32 v58;
	_ =	sdelay $0x4  }
0x203: {  	vm1 =	vgt.s32 v6, $0x1FFF  }
0x204: {  	v59 =	vadd.s32 $0x1000, v6;
	_ =	sdelay $0x2  }
0x205: {  	v7 =	vpop (erf)  }
0x206: {  	[tilespmem:v6+s23+$0x0] =	vst.idx.add.f32.msk $0xffff, v7  }
0x207: {  	s29 =	sor.u32 $0xA0, s30;
	[tilespmem:v59+s23+$0x0] =	vst.idx.add.f32.msk vm1, v1  }
0x208: {  	v5 =	vld [tilespmem:s29+$0x1000];
	_ =	sdelay $0x4  }
0x209: {  	v60 =	vmul.f32 $1.442695020e+00, v5;
	_ =	sdelay $0x1  }
0x20a: {  	v7 =	vld [tilespmem:s29+$0x0];
	(erf) = vpow2.f32 v60;
	_ =	sdelay $0x4  }
0x20b: {  	vm2 =	vgt.s32 v7, $0x1FFF  }
0x20c: {  	v61 =	vadd.s32 $0x1000, v7;
	_ =	sdelay $0x2  }
0x20d: {  	v8 =	vpop (erf)  }
0x20e: {  	[tilespmem:v7+s23+$0x0] =	vst.idx.add.f32.msk $0xffff, v8  }
0x20f: {  	s6 =	sor.u32 $0xB0, s30;
	[tilespmem:v61+s23+$0x0] =	vst.idx.add.f32.msk vm2, v1  }
0x210: {  	v6 =	vld [tilespmem:s6+$0x1000];
	_ =	sdelay $0x4  }
0x211: {  	v62 =	vmul.f32 $1.442695020e+00, v6;
	_ =	sdelay $0x1  }
0x212: {  	v8 =	vld [tilespmem:s6+$0x0];
	(erf) = vpow2.f32 v62;
	_ =	sdelay $0x4  }
0x213: {  	vm3 =	vgt.s32 v8, $0x1FFF  }
0x214: {  	v63 =	vadd.s32 $0x1000, v8;
	_ =	sdelay $0x2  }
0x215: {  	s28 =	sadd.s32 s26, s10;
	v9 =	vpop (erf)  }
0x216: {  	s5 =	sshrl.u32 s28, $0x3;
	[tilespmem:v8+s23+$0x0] =	vst.idx.add.f32.msk $0xffff, v9  }
0x217: {  	s26 =	sadd.s32 s3, s5;
	[tilespmem:v63+s23+$0x0] =	vst.idx.add.f32.msk vm3, v1  }
0x218: {  	[tilespmem:s14], [sflag:$0x2] =	stream.linear.gather [hbm4b:s26+s2], $0x80, $0x38;
	[tilespmem:$0x6080] =	vst v63  }
0x219: {  	s28 =	sadd.s32 $0x10, s26;
	s6 =	simm.s32 $0x180  }
0x21a: {  	[tilespmem:s6], [sflag:$0x2] =	stream.linear.gather [hbm4b:s28+s2], $0x80, $0x38;
	[tilespmem:$0x6080] =	vst v63  }
0x21b: {  	s30 =	simm.s32 $0x280;
	s29 =	sadd.s32 $0x20, s26  }
0x21c: {  	[tilespmem:s30], [sflag:$0x2] =	stream.linear.gather [hbm4b:s29+s2], $0x80, $0x38;
	[tilespmem:$0x6080] =	vst v63  }
0x21d: {  	s29 =	sadd.s32 $0x30, s26;
	s30 =	simm.s32 $0x380  }
0x21e: {  	[tilespmem:s30], [sflag:$0x2] =	stream.linear.gather [hbm4b:s29+s2], $0x80, $0x38;
	[tilespmem:$0x6080] =	vst v63  }
0x21f: {  	s29 =	sadd.s32 $0x40, s26;
	s30 =	simm.s32 $0x480  }
0x220: {  	[tilespmem:s30], [sflag:$0x2] =	stream.linear.gather [hbm4b:s29+s2], $0x80, $0x38;
	[tilespmem:$0x6080] =	vst v63  }
0x221: {  	s29 =	sadd.s32 $0x50, s26;
	s30 =	simm.s32 $0x580  }
0x222: {  	[tilespmem:s30], [sflag:$0x2] =	stream.linear.gather [hbm4b:s29+s2], $0x80, $0x38;
	[tilespmem:$0x6080] =	vst v63  }
0x223: {  	s29 =	sadd.s32 $0x60, s26;
	s30 =	simm.s32 $0x680  }
0x224: {  	[tilespmem:s30], [sflag:$0x2] =	stream.linear.gather [hbm4b:s29+s2], $0x80, $0x38;
	[tilespmem:$0x6080] =	vst v63  }
0x225: {  	s29 =	sadd.s32 $0x70, s26;
	s30 =	simm.s32 $0x780  }
0x226: {  	[tilespmem:s30], [sflag:$0x2] =	stream.linear.gather [hbm4b:s29+s2], $0x80, $0x38;
	[tilespmem:$0x6080] =	vst v63  }
0x227: {  	s29 =	sadd.s32 $0x80, s26;
	s30 =	simm.s32 $0x880  }
0x228: {  	[tilespmem:s30], [sflag:$0x2] =	stream.linear.gather [hbm4b:s29+s2], $0x80, $0x38;
	[tilespmem:$0x6080] =	vst v63  }
0x229: {  	s29 =	sadd.s32 $0x90, s26;
	s30 =	simm.s32 $0x980  }
0x22a: {  	[tilespmem:s30], [sflag:$0x2] =	stream.linear.gather [hbm4b:s29+s2], $0x80, $0x38;
	[tilespmem:$0x6080] =	vst v63  }
0x22b: {  	s29 =	sadd.s32 $0xA0, s26;
	s30 =	simm.s32 $0xA80  }
0x22c: {  	[tilespmem:s30], [sflag:$0x2] =	stream.linear.gather [hbm4b:s29+s2], $0x80, $0x38;
	[tilespmem:$0x6080] =	vst v63  }
0x22d: {  	s29 =	sadd.s32 $0xB0, s26;
	s30 =	simm.s32 $0xB80  }
0x22e: {  	[tilespmem:s30], [sflag:$0x2] =	stream.linear.gather [hbm4b:s29+s2], $0x80, $0x38;
	[tilespmem:$0x6080] =	vst v63  }
0x22f: {  	s29 =	sadd.s32 $0xC0, s26;
	s30 =	simm.s32 $0xC80  }
0x230: {  	[tilespmem:s30], [sflag:$0x2] =	stream.linear.gather [hbm4b:s29+s2], $0x80, $0x38;
	[tilespmem:$0x6080] =	vst v63  }
0x231: {  	s29 =	sadd.s32 $0xD0, s26;
	s30 =	simm.s32 $0xD80  }
0x232: {  	[tilespmem:s30], [sflag:$0x2] =	stream.linear.gather [hbm4b:s29+s2], $0x80, $0x38;
	[tilespmem:$0x6080] =	vst v63  }
0x233: {  	s6 =	sadd.s32 $0xE0, s26;
	s29 =	simm.s32 $0xE80  }
0x234: {  	[tilespmem:s29], [sflag:$0x2] =	stream.linear.gather [hbm4b:s6+s2], $0x80, $0x38;
	[tilespmem:$0x6080] =	vst v63  }
0x235: {  	s26 =	sadd.s32 $0xF0, s26;
	s30 =	simm.s32 $0xF80  }
0x236: {  	[tilespmem:s30], [sflag:$0x2] =	stream.linear.gather [hbm4b:s26+s2], $0x80, $0x38;
	[tilespmem:$0x6080] =	vst v63  }
0x237: {  	s5 =	sadd.s32 s4, s5;
	s26 =	simm.s32 $0x1080  }
0x238: {  	[tilespmem:s26], [sflag:$0x2] =	stream.linear.gather [hbm4b:s5+s2], $0x80, $0x38;
	[tilespmem:$0x6080] =	vst v63  }
0x239: {  	s28 =	sadd.s32 $0x10, s5;
	s29 =	simm.s32 $0x1180  }
0x23a: {  	[tilespmem:s29], [sflag:$0x2] =	stream.linear.gather [hbm4b:s28+s2], $0x80, $0x38;
	[tilespmem:$0x6080] =	vst v63  }
0x23b: {  	s30 =	sadd.s32 $0x20, s5  }
0x23c: {  	[tilespmem:s7], [sflag:$0x2] =	stream.linear.gather [hbm4b:s30+s2], $0x80, $0x38;
	[tilespmem:$0x6080] =	vst v63  }
0x23d: {  	s6 =	sadd.s32 $0x30, s5  }
0x23e: {  	[tilespmem:s8], [sflag:$0x2] =	stream.linear.gather [hbm4b:s6+s2], $0x80, $0x38;
	[tilespmem:$0x6080] =	vst v63  }
0x23f: {  	s28 =	sadd.s32 $0x40, s5  }
0x240: {  	[tilespmem:s31], [sflag:$0x2] =	stream.linear.gather [hbm4b:s28+s2], $0x80, $0x38;
	[tilespmem:$0x6080] =	vst v63  }
0x241: {  	s29 =	sadd.s32 $0x50, s5  }
0x242: {  	[tilespmem:s1], [sflag:$0x2] =	stream.linear.gather [hbm4b:s29+s2], $0x80, $0x38;
	[tilespmem:$0x6080] =	vst v63  }
0x243: {  	s30 =	sadd.s32 $0x60, s5  }
0x244: {  	[tilespmem:s0], [sflag:$0x2] =	stream.linear.gather [hbm4b:s30+s2], $0x80, $0x38;
	[tilespmem:$0x6080] =	vst v63  }
0x245: {  	s6 =	sadd.s32 $0x70, s5  }
0x246: {  	[tilespmem:s12], [sflag:$0x2] =	stream.linear.gather [hbm4b:s6+s2], $0x80, $0x38;
	[tilespmem:$0x6080] =	vst v63  }
0x247: {  	s28 =	sadd.s32 $0x80, s5  }
0x248: {  	[tilespmem:s13], [sflag:$0x2] =	stream.linear.gather [hbm4b:s28+s2], $0x80, $0x38;
	[tilespmem:$0x6080] =	vst v63  }
0x249: {  	s29 =	sadd.s32 $0x90, s5  }
0x24a: {  	[tilespmem:s15], [sflag:$0x2] =	stream.linear.gather [hbm4b:s29+s2], $0x80, $0x38;
	[tilespmem:$0x6080] =	vst v63  }
0x24b: {  	s30 =	sadd.s32 $0xA0, s5  }
0x24c: {  	[tilespmem:s16], [sflag:$0x2] =	stream.linear.gather [hbm4b:s30+s2], $0x80, $0x38;
	[tilespmem:$0x6080] =	vst v63  }
0x24d: {  	s6 =	sadd.s32 $0xB0, s5  }
0x24e: {  	[tilespmem:s17], [sflag:$0x2] =	stream.linear.gather [hbm4b:s6+s2], $0x80, $0x38;
	[tilespmem:$0x6080] =	vst v63  }
0x24f: {  	s11 =	sadd.s32 $0x1, s11;
	s28 =	sadd.s32 $0xC0, s5  }
0x250: {  	v3 =	vnsel vm15, $0x0, v3;
	[tilespmem:s18], [sflag:$0x2] =	stream.linear.gather [hbm4b:s28+s2], $0x80, $0x38;
	[tilespmem:$0x6080] =	vst v63  }
0x251: {  	p0 =	sne.s32 s11, $0x7;
	v2 =	vadd.f32 v3, v2;
	s29 =	sadd.s32 $0xD0, s5  }
0x252: {  	v3 =	vnsel vm1, $0x0, v4;
	[tilespmem:s19], [sflag:$0x2] =	stream.linear.gather [hbm4b:s29+s2], $0x80, $0x38;
	[tilespmem:$0x6080] =	vst v63  }
.Ltmp4:
0x253: {  	v2 =	vadd.f32 v3, v2;
	(pc) =	sbr.rel @p0 .LBB2_6-.Ltmp4, $4  }
0x254: {  	v3 =	vnsel vm2, $0x0, v5;
	s30 =	sadd.s32 $0xE0, s5  }
0x255: {  	v2 =	vadd.f32 v3, v2;
	[tilespmem:s20], [sflag:$0x2] =	stream.linear.gather [hbm4b:s30+s2], $0x80, $0x38;
	[tilespmem:$0x6080] =	vst v63  }
0x256: {  	v3 =	vnsel vm3, $0x0, v6;
	s5 =	sadd.s32 $0xF0, s5  }
0x257: {  	v2 =	vadd.f32 v3, v2;
	[tilespmem:s21], [sflag:$0x2] =	stream.linear.gather [hbm4b:s5+s2], $0x80, $0x38;
	[tilespmem:$0x6080] =	vst v63  }
0x258: {  	_ =	swait.ge [sflag:s22], $0x800  }
0x259: {  	[sflag:s22] =	ssyncset.done $0x0  }
0x25a: {  	[sflag:s22] =	ssyncadd.s32 $0xFFFFF800  }
0x25b: {  	s5 =	simm.s32 $0x0;
	_ =	swait.ge [sflag:s22], $0x800  }
0x25c: {  	s11 =	sand.u32 $0x40, s5;
	s5 =	sand.u32 $0xF00, s5;
	[sflag:s22] =	ssyncset.done $0x0  }
0x25d: {  	s5 =	sor.u32 s11, s5;
	[sflag:s22] =	ssyncadd.s32 $0xFFFFF800  }
0x25e: {  	v3 =	vld [tilespmem:s5+$0x1000];
	_ =	sdelay $0x4  }
0x25f: {  	v4 =	vmul.f32 $1.442695020e+00, v3;
	_ =	sdelay $0x1  }
0x260: {  	v5 =	vld [tilespmem:s5+$0x0];
	(erf) = vpow2.f32 v4;
	_ =	sdelay $0x4  }
0x261: {  	vm0 =	vgt.s32 v5, $0x1FFF  }
0x262: {  	v4 =	vadd.s32 $0x1000, v5;
	_ =	sdelay $0x2  }
0x263: {  	v6 =	vpop (erf)  }
0x264: {  	[tilespmem:v5+s23+$0x0] =	vst.idx.add.f32.msk $0xffff, v6  }
0x265: {  	[tilespmem:v4+s23+$0x0] =	vst.idx.add.f32.msk vm0, v1  }
0x266: {  	v4 =	vld [tilespmem:s5+$0x1010];
	_ =	sdelay $0x4  }
0x267: {  	v5 =	vmul.f32 $1.442695020e+00, v4;
	_ =	sdelay $0x1  }
0x268: {  	v6 =	vld [tilespmem:s5+$0x10];
	(erf) = vpow2.f32 v5;
	_ =	sdelay $0x4  }
0x269: {  	vm1 =	vgt.s32 v6, $0x1FFF  }
0x26a: {  	v5 =	vadd.s32 $0x1000, v6;
	_ =	sdelay $0x2  }
0x26b: {  	v7 =	vpop (erf)  }
0x26c: {  	[tilespmem:v6+s23+$0x0] =	vst.idx.add.f32.msk $0xffff, v7  }
0x26d: {  	[tilespmem:v5+s23+$0x0] =	vst.idx.add.f32.msk vm1, v1  }
0x26e: {  	v5 =	vld [tilespmem:s5+$0x1020];
	_ =	sdelay $0x4  }
0x26f: {  	v60 =	vmul.f32 $1.442695020e+00, v5;
	_ =	sdelay $0x1  }
0x270: {  	v7 =	vld [tilespmem:s5+$0x20];
	(erf) = vpow2.f32 v60;
	_ =	sdelay $0x4  }
0x271: {  	vm2 =	vgt.s32 v7, $0x1FFF  }
0x272: {  	v61 =	vadd.s32 $0x1000, v7;
	_ =	sdelay $0x2  }
0x273: {  	v8 =	vpop (erf)  }
0x274: {  	[tilespmem:v7+s23+$0x0] =	vst.idx.add.f32.msk $0xffff, v8  }
0x275: {  	[tilespmem:v61+s23+$0x0] =	vst.idx.add.f32.msk vm2, v1  }
0x276: {  	v6 =	vld [tilespmem:s5+$0x1030];
	_ =	sdelay $0x4  }
0x277: {  	v62 =	vmul.f32 $1.442695020e+00, v6;
	_ =	sdelay $0x1  }
0x278: {  	(erf) = vpow2.f32 v62  }
0x279: {  	v63 =	vld [tilespmem:s5+$0x30]  }
0x27a: {  	v3 =	vnsel vm0, $0x0, v3  }
0x27b: {  	v2 =	vadd.f32 v3, v2  }
0x27c: {  	v3 =	vnsel vm1, $0x0, v4  }
0x27d: {  	v2 =	vadd.f32 v3, v2  }
0x27e: {  	v3 =	vnsel vm2, $0x0, v5;
	vm0 =	vgt.s32 v63, $0x1FFF  }
0x27f: {  	v2 =	vadd.f32 v3, v2;
	v3 =	vadd.s32 $0x1000, v63;
	_ =	sdelay $0x1  }
0x280: {  	s30 =	simm.s32 $0x40;
	s11 =	simm.s32 $0x80;
	v4 =	vnsel vm0, $0x0, v6;
	v5 =	vpop (erf)  }
0x281: {  	s25 =	simm.s32 $0x80;
	s26 =	sand.u32 $0x40, s30;
	s28 =	sand.u32 $0xF00, s11;
	v2 =	vadd.f32 v4, v2;
	[tilespmem:v63+s23+$0x0] =	vst.idx.add.f32.msk $0xffff, v5  }
.LBB2_12:
0x282: {  	p0 =	sne.s32 s25, $0x7C0  }
0x283: {  	s28 =	sor.u32 s26, s28;
	[tilespmem:v3+s23+$0x0] =	vst.idx.add.f32.msk vm0, v1;
	s26 =	smov.u32 s25;
	s25 =	sadd.s32 $0x40, s25  }
0x284: {  	v3 =	vld [tilespmem:s28+$0x1000];
	_ =	sdelay $0x4  }
0x285: {  	v4 =	vmul.f32 $1.442695020e+00, v3;
	_ =	sdelay $0x1  }
0x286: {  	v5 =	vld [tilespmem:s28+$0x0];
	(erf) = vpow2.f32 v4;
	_ =	sdelay $0x4  }
0x287: {  	vm0 =	vgt.s32 v5, $0x1FFF;
	v4 =	vadd.s32 $0x1000, v5  }
0x288: {  	v3 =	vnsel vm0, $0x0, v3;
	_ =	sdelay $0x2  }
0x289: {  	v6 =	vpop (erf)  }
0x28a: {  	[tilespmem:v5+s23+$0x0] =	vst.idx.add.f32.msk $0xffff, v6  }
0x28b: {  	[tilespmem:v4+s23+$0x0] =	vst.idx.add.f32.msk vm0, v1  }
0x28c: {  	v4 =	vld [tilespmem:s28+$0x1010];
	_ =	sdelay $0x4  }
0x28d: {  	v5 =	vmul.f32 $1.442695020e+00, v4;
	_ =	sdelay $0x1  }
0x28e: {  	v6 =	vld [tilespmem:s28+$0x10];
	(erf) = vpow2.f32 v5;
	_ =	sdelay $0x4  }
0x28f: {  	vm0 =	vgt.s32 v6, $0x1FFF;
	v5 =	vadd.s32 $0x1000, v6  }
0x290: {  	v4 =	vnsel vm0, $0x0, v4;
	_ =	sdelay $0x2  }
0x291: {  	v7 =	vpop (erf)  }
0x292: {  	[tilespmem:v6+s23+$0x0] =	vst.idx.add.f32.msk $0xffff, v7  }
0x293: {  	[tilespmem:v5+s23+$0x0] =	vst.idx.add.f32.msk vm0, v1  }
0x294: {  	v5 =	vld [tilespmem:s28+$0x1020];
	_ =	sdelay $0x4  }
0x295: {  	v6 =	vmul.f32 $1.442695020e+00, v5;
	_ =	sdelay $0x1  }
0x296: {  	v7 =	vld [tilespmem:s28+$0x20];
	(erf) = vpow2.f32 v6;
	_ =	sdelay $0x4  }
0x297: {  	vm0 =	vgt.s32 v7, $0x1FFF  }
0x298: {  	v6 =	vadd.s32 $0x1000, v7;
	v5 =	vnsel vm0, $0x0, v5;
	_ =	sdelay $0x2  }
0x299: {  	v8 =	vpop (erf)  }
0x29a: {  	[tilespmem:v7+s23+$0x0] =	vst.idx.add.f32.msk $0xffff, v8  }
0x29b: {  	[tilespmem:v6+s23+$0x0] =	vst.idx.add.f32.msk vm0, v1  }
0x29c: {  	v6 =	vld [tilespmem:s28+$0x1030]  }
0x29d: {  	v7 =	vld [tilespmem:s28+$0x30]  }
0x29e: {  	v2 =	vadd.f32 v3, v2;
	_ =	sdelay $0x1  }
0x29f: {  	v2 =	vadd.f32 v4, v2  }
0x2a0: {  	v4 =	vmul.f32 $1.442695020e+00, v6  }
0x2a1: {  	v2 =	vadd.f32 v5, v2;
	vm0 =	vgt.s32 v7, $0x1FFF;
	v3 =	vadd.s32 $0x1000, v7  }
0x2a2: {  	v5 =	vnsel vm0, $0x0, v6;
	(erf) = vpow2.f32 v4  }
0x2a3: {  	v2 =	vadd.f32 v5, v2;
	_ =	sdelay $0x4  }
.Ltmp5:
0x2a4: {  	(pc) =	sbr.rel @p0 .LBB2_12-.Ltmp5, $3  }
0x2a5: {  	_ =	sdelay $0x1  }
0x2a6: {  	s11 =	sadd.s32 $0x80, s11;
	v4 =	vpop (erf)  }
0x2a7: {  	s26 =	sand.u32 $0x40, s26;
	s28 =	sand.u32 $0xF00, s11;
	[tilespmem:v7+s23+$0x0] =	vst.idx.add.f32.msk $0xffff, v4  }
0x2a8: {  	_ =	sdelay $0x4  }
0x2a9: {  	s5 =	sor.u32 s26, s28;
	[tilespmem:v3+s23+$0x0] =	vst.idx.add.f32.msk vm0, v1  }
0x2aa: {  	v3 =	vld [tilespmem:s5+$0x1000];
	_ =	sdelay $0x4  }
0x2ab: {  	v4 =	vmul.f32 $1.442695020e+00, v3;
	_ =	sdelay $0x1  }
0x2ac: {  	v5 =	vld [tilespmem:s5+$0x0];
	(erf) = vpow2.f32 v4;
	_ =	sdelay $0x4  }
0x2ad: {  	vm0 =	vgt.s32 v5, $0x1FFF  }
0x2ae: {  	v4 =	vadd.s32 $0x1000, v5;
	_ =	sdelay $0x2  }
0x2af: {  	v6 =	vpop (erf)  }
0x2b0: {  	[tilespmem:v5+s23+$0x0] =	vst.idx.add.f32.msk $0xffff, v6  }
0x2b1: {  	[tilespmem:v4+s23+$0x0] =	vst.idx.add.f32.msk vm0, v1  }
0x2b2: {  	v4 =	vld [tilespmem:s5+$0x1010];
	_ =	sdelay $0x4  }
0x2b3: {  	v5 =	vmul.f32 $1.442695020e+00, v4;
	_ =	sdelay $0x1  }
0x2b4: {  	v6 =	vld [tilespmem:s5+$0x10];
	(erf) = vpow2.f32 v5;
	_ =	sdelay $0x4  }
0x2b5: {  	vm1 =	vgt.s32 v6, $0x1FFF  }
0x2b6: {  	v5 =	vadd.s32 $0x1000, v6;
	_ =	sdelay $0x2  }
0x2b7: {  	v7 =	vpop (erf)  }
0x2b8: {  	[tilespmem:v6+s23+$0x0] =	vst.idx.add.f32.msk $0xffff, v7  }
0x2b9: {  	[tilespmem:v5+s23+$0x0] =	vst.idx.add.f32.msk vm1, v1  }
0x2ba: {  	v5 =	vld [tilespmem:s5+$0x1020];
	_ =	sdelay $0x4  }
0x2bb: {  	v51 =	vmul.f32 $1.442695020e+00, v5;
	_ =	sdelay $0x1  }
0x2bc: {  	v7 =	vld [tilespmem:s5+$0x20];
	(erf) = vpow2.f32 v51;
	_ =	sdelay $0x4  }
0x2bd: {  	vm2 =	vgt.s32 v7, $0x1FFF  }
0x2be: {  	v52 =	vadd.s32 $0x1000, v7;
	_ =	sdelay $0x2  }
0x2bf: {  	v8 =	vpop (erf)  }
0x2c0: {  	[tilespmem:v7+s23+$0x0] =	vst.idx.add.f32.msk $0xffff, v8  }
0x2c1: {  	[tilespmem:v52+s23+$0x0] =	vst.idx.add.f32.msk vm2, v1  }
0x2c2: {  	v6 =	vld [tilespmem:s5+$0x1030];
	_ =	sdelay $0x4  }
0x2c3: {  	v53 =	vmul.f32 $1.442695020e+00, v6;
	_ =	sdelay $0x1  }
0x2c4: {  	v8 =	vld [tilespmem:s5+$0x30];
	(erf) = vpow2.f32 v53;
	_ =	sdelay $0x4  }
0x2c5: {  	vm3 =	vgt.s32 v8, $0x1FFF  }
0x2c6: {  	v54 =	vadd.s32 $0x1000, v8;
	_ =	sdelay $0x2  }
0x2c7: {  	v9 =	vpop (erf)  }
0x2c8: {  	[tilespmem:v8+s23+$0x0] =	vst.idx.add.f32.msk $0xffff, v9  }
0x2c9: {  	[tilespmem:v54+s23+$0x0] =	vst.idx.add.f32.msk vm3, v1  }
0x2ca: {  	_ =	swait.ge [sflag:s24], $0x800  }
0x2cb: {  	p0 =	por $0x0, $0x0;
	s5 =	simm.s32 $0x1;
	[sflag:s24] =	ssyncset.done $0x0  }
0x2cc: {  	s5 =	simm.s32 @!p0 $0x0;
	[sflag:s24] =	ssyncadd.s32 $0xFFFFF800  }
0x2cd: {  	s5 =	sshll.u32 s5, $0x6;
	_ =	swait.ge [sflag:s24], $0x800  }
0x2ce: {  	s5 =	sadd.s32 $0x0, s5;
	[sflag:s24] =	ssyncset.done $0x0  }
0x2cf: {  	s11 =	sor.u32 $0x80, s5;
	[sflag:s24] =	ssyncadd.s32 $0xFFFFF800  }
0x2d0: {  	v55 =	vld [tilespmem:s11+$0x1000];
	_ =	sdelay $0x4  }
0x2d1: {  	v56 =	vmul.f32 $1.442695020e+00, v55;
	_ =	sdelay $0x1  }
0x2d2: {  	v57 =	vld [tilespmem:s11+$0x0];
	(erf) = vpow2.f32 v56;
	_ =	sdelay $0x4  }
0x2d3: {  	vm4 =	vgt.s32 v57, $0x1FFF  }
0x2d4: {  	v58 =	vadd.s32 $0x1000, v57;
	_ =	sdelay $0x2  }
0x2d5: {  	v10 =	vpop (erf)  }
0x2d6: {  	[tilespmem:v57+s23+$0x0] =	vst.idx.add.f32.msk $0xffff, v10  }
0x2d7: {  	s29 =	sor.u32 $0x90, s5;
	[tilespmem:v58+s23+$0x0] =	vst.idx.add.f32.msk vm4, v1  }
0x2d8: {  	v8 =	vld [tilespmem:s29+$0x1000];
	_ =	sdelay $0x4  }
0x2d9: {  	v59 =	vmul.f32 $1.442695020e+00, v8;
	_ =	sdelay $0x1  }
0x2da: {  	v10 =	vld [tilespmem:s29+$0x0];
	(erf) = vpow2.f32 v59;
	_ =	sdelay $0x4  }
0x2db: {  	vm5 =	vgt.s32 v10, $0x1FFF  }
0x2dc: {  	v60 =	vadd.s32 $0x1000, v10;
	_ =	sdelay $0x2  }
0x2dd: {  	v11 =	vpop (erf)  }
0x2de: {  	[tilespmem:v10+s23+$0x0] =	vst.idx.add.f32.msk $0xffff, v11  }
0x2df: {  	s30 =	sor.u32 $0xA0, s5;
	[tilespmem:v60+s23+$0x0] =	vst.idx.add.f32.msk vm5, v1  }
0x2e0: {  	v9 =	vld [tilespmem:s30+$0x1000];
	_ =	sdelay $0x4  }
0x2e1: {  	v61 =	vmul.f32 $1.442695020e+00, v9;
	_ =	sdelay $0x1  }
0x2e2: {  	v11 =	vld [tilespmem:s30+$0x0];
	(erf) = vpow2.f32 v61;
	_ =	sdelay $0x4  }
0x2e3: {  	vm6 =	vgt.s32 v11, $0x1FFF  }
0x2e4: {  	v62 =	vadd.s32 $0x1000, v11;
	_ =	sdelay $0x2  }
0x2e5: {  	v12 =	vpop (erf)  }
0x2e6: {  	[tilespmem:v11+s23+$0x0] =	vst.idx.add.f32.msk $0xffff, v12  }
0x2e7: {  	s5 =	sor.u32 $0xB0, s5;
	[tilespmem:v62+s23+$0x0] =	vst.idx.add.f32.msk vm6, v1  }
0x2e8: {  	v10 =	vld [tilespmem:s5+$0x1000]  }
0x2e9: {  	v3 =	vnsel vm0, $0x0, v3  }
0x2ea: {  	v2 =	vadd.f32 v3, v2  }
0x2eb: {  	v3 =	vnsel vm1, $0x0, v4  }
0x2ec: {  	v2 =	vadd.f32 v3, v2  }
0x2ed: {  	v4 =	vnsel vm2, $0x0, v5;
	v3 =	vmul.f32 $1.442695020e+00, v10  }
0x2ee: {  	v2 =	vadd.f32 v4, v2  }
0x2ef: {  	(erf) = vpow2.f32 v3;
	v3 =	vnsel vm3, $0x0, v6  }
0x2f0: {  	v4 =	vld [tilespmem:s5+$0x0];
	v2 =	vadd.f32 v3, v2  }
0x2f1: {  	v3 =	vnsel vm4, $0x0, v55  }
0x2f2: {  	v2 =	vadd.f32 v3, v2  }
0x2f3: {  	v3 =	vnsel vm5, $0x0, v8  }
0x2f4: {  	v2 =	vadd.f32 v3, v2  }
0x2f5: {  	vm0 =	vgt.s32 v4, $0x1FFF;
	v3 =	vnsel vm6, $0x0, v9  }
0x2f6: {  	v2 =	vadd.f32 v3, v2;
	v3 =	vadd.s32 $0x1000, v4  }
0x2f7: {  	p0 =	por !p0, !p0;
	s5 =	simm.s32 $0x1  }
0x2f8: {  	s5 =	simm.s32 @!p0 $0x0  }
0x2f9: {  	s5 =	sshll.u32 s5, $0x6;
	v5 =	vnsel vm0, $0x0, v10;
	v63 =	vpop (erf)  }
0x2fa: {  	s25 =	simm.s32 $0x80;
	s11 =	simm.s32 $0x80;
	s26 =	sadd.s32 $0x80, s5;
	v2 =	vadd.f32 v5, v2;
	[tilespmem:v4+s23+$0x0] =	vst.idx.add.f32.msk $0xffff, v63  }
.LBB2_14:
0x2fb: {  	p1 =	sne.s32 s11, $0x7C0;
	s11 =	sadd.s32 $0x40, s11;
	s5 =	sor.u32 $0x80, s26;
	[tilespmem:v3+s23+$0x0] =	vst.idx.add.f32.msk vm0, v1  }
0x2fc: {  	v3 =	vld [tilespmem:s5+$0x1000];
	_ =	sdelay $0x4  }
0x2fd: {  	v4 =	vmul.f32 $1.442695020e+00, v3;
	_ =	sdelay $0x1  }
0x2fe: {  	v5 =	vld [tilespmem:s5+$0x0];
	(erf) = vpow2.f32 v4;
	_ =	sdelay $0x4  }
0x2ff: {  	vm0 =	vgt.s32 v5, $0x1FFF  }
0x300: {  	v4 =	vadd.s32 $0x1000, v5;
	v3 =	vnsel vm0, $0x0, v3;
	_ =	sdelay $0x2  }
0x301: {  	v6 =	vpop (erf)  }
0x302: {  	[tilespmem:v5+s23+$0x0] =	vst.idx.add.f32.msk $0xffff, v6  }
0x303: {  	s5 =	sor.u32 $0x90, s26;
	[tilespmem:v4+s23+$0x0] =	vst.idx.add.f32.msk vm0, v1  }
0x304: {  	v4 =	vld [tilespmem:s5+$0x1000];
	_ =	sdelay $0x4  }
0x305: {  	v5 =	vmul.f32 $1.442695020e+00, v4;
	_ =	sdelay $0x1  }
0x306: {  	v6 =	vld [tilespmem:s5+$0x0];
	(erf) = vpow2.f32 v5;
	_ =	sdelay $0x4  }
0x307: {  	vm0 =	vgt.s32 v6, $0x1FFF  }
0x308: {  	v5 =	vadd.s32 $0x1000, v6;
	v4 =	vnsel vm0, $0x0, v4;
	_ =	sdelay $0x2  }
0x309: {  	v7 =	vpop (erf)  }
0x30a: {  	[tilespmem:v6+s23+$0x0] =	vst.idx.add.f32.msk $0xffff, v7  }
0x30b: {  	s5 =	sor.u32 $0xA0, s26;
	[tilespmem:v5+s23+$0x0] =	vst.idx.add.f32.msk vm0, v1  }
0x30c: {  	v5 =	vld [tilespmem:s5+$0x1000];
	_ =	sdelay $0x4  }
0x30d: {  	v6 =	vmul.f32 $1.442695020e+00, v5;
	_ =	sdelay $0x1  }
0x30e: {  	v7 =	vld [tilespmem:s5+$0x0];
	(erf) = vpow2.f32 v6;
	_ =	sdelay $0x4  }
0x30f: {  	vm0 =	vgt.s32 v7, $0x1FFF  }
0x310: {  	v6 =	vadd.s32 $0x1000, v7;
	v5 =	vnsel vm0, $0x0, v5;
	_ =	sdelay $0x2  }
0x311: {  	v8 =	vpop (erf)  }
0x312: {  	[tilespmem:v7+s23+$0x0] =	vst.idx.add.f32.msk $0xffff, v8  }
0x313: {  	s5 =	sor.u32 $0xB0, s26;
	[tilespmem:v6+s23+$0x0] =	vst.idx.add.f32.msk vm0, v1  }
0x314: {  	v6 =	vld [tilespmem:s5+$0x1000]  }
0x315: {  	v7 =	vld [tilespmem:s5+$0x0];
	_ =	sdelay $0x3  }
0x316: {  	v8 =	vmul.f32 $1.442695020e+00, v6;
	_ =	sdelay $0x1  }
0x317: {  	(erf) = vpow2.f32 v8  }
0x318: {  	v2 =	vadd.f32 v3, v2;
	_ =	sdelay $0x1  }
0x319: {  	v2 =	vadd.f32 v4, v2;
	_ =	sdelay $0x1  }
0x31a: {  	v2 =	vadd.f32 v5, v2;
	vm0 =	vgt.s32 v7, $0x1FFF  }
.Ltmp6:
0x31b: {  	v3 =	vadd.s32 $0x1000, v7;
	v4 =	vnsel vm0, $0x0, v6;
	(pc) =	sbr.rel @p1 .LBB2_14-.Ltmp6, $4  }
0x31c: {  	p0 =	por !p0, !p0;
	s5 =	simm.s32 $0x1;
	v2 =	vadd.f32 v4, v2  }
0x31d: {  	s5 =	simm.s32 @!p0 $0x0  }
0x31e: {  	s25 =	sadd.s32 $0x80, s25;
	s5 =	sshll.u32 s5, $0x6;
	v4 =	vpop (erf)  }
0x31f: {  	s26 =	sadd.s32 s5, s25;
	[tilespmem:v7+s23+$0x0] =	vst.idx.add.f32.msk $0xffff, v4  }
0x320: {  	_ =	sdelay $0x4  }
0x321: {  	s5 =	sor.u32 $0x80, s26;
	[tilespmem:v3+s23+$0x0] =	vst.idx.add.f32.msk vm0, v1  }
0x322: {  	v3 =	vld [tilespmem:s5+$0x1000];
	_ =	sdelay $0x4  }
0x323: {  	v4 =	vmul.f32 $1.442695020e+00, v3;
	_ =	sdelay $0x1  }
0x324: {  	v5 =	vld [tilespmem:s5+$0x0];
	(erf) = vpow2.f32 v4;
	_ =	sdelay $0x4  }
0x325: {  	vm14 =	vgt.s32 v5, $0x1FFF  }
0x326: {  	v54 =	vadd.s32 $0x1000, v5;
	_ =	sdelay $0x2  }
0x327: {  	v6 =	vpop (erf)  }
0x328: {  	[tilespmem:v5+s23+$0x0] =	vst.idx.add.f32.msk $0xffff, v6  }
0x329: {  	s30 =	sor.u32 $0x90, s26;
	[tilespmem:v54+s23+$0x0] =	vst.idx.add.f32.msk vm14, v1  }
0x32a: {  	v4 =	vld [tilespmem:s30+$0x1000];
	_ =	sdelay $0x4  }
0x32b: {  	v55 =	vmul.f32 $1.442695020e+00, v4;
	_ =	sdelay $0x1  }
0x32c: {  	v6 =	vld [tilespmem:s30+$0x0];
	(erf) = vpow2.f32 v55;
	_ =	sdelay $0x4  }
0x32d: {  	vm1 =	vgt.s32 v6, $0x1FFF  }
0x32e: {  	v56 =	vadd.s32 $0x1000, v6;
	_ =	sdelay $0x2  }
0x32f: {  	v7 =	vpop (erf)  }
0x330: {  	[tilespmem:v6+s23+$0x0] =	vst.idx.add.f32.msk $0xffff, v7  }
0x331: {  	s6 =	sor.u32 $0xA0, s26;
	[tilespmem:v56+s23+$0x0] =	vst.idx.add.f32.msk vm1, v1  }
0x332: {  	v5 =	vld [tilespmem:s6+$0x1000];
	_ =	sdelay $0x4  }
0x333: {  	v57 =	vmul.f32 $1.442695020e+00, v5;
	_ =	sdelay $0x1  }
0x334: {  	v7 =	vld [tilespmem:s6+$0x0];
	(erf) = vpow2.f32 v57;
	_ =	sdelay $0x4  }
0x335: {  	vm2 =	vgt.s32 v7, $0x1FFF  }
0x336: {  	v58 =	vadd.s32 $0x1000, v7;
	_ =	sdelay $0x2  }
0x337: {  	v8 =	vpop (erf)  }
0x338: {  	[tilespmem:v7+s23+$0x0] =	vst.idx.add.f32.msk $0xffff, v8  }
0x339: {  	s11 =	sor.u32 $0xB0, s26;
	[tilespmem:v58+s23+$0x0] =	vst.idx.add.f32.msk vm2, v1  }
0x33a: {  	v6 =	vld [tilespmem:s11+$0x1000];
	_ =	sdelay $0x4  }
0x33b: {  	v59 =	vmul.f32 $1.442695020e+00, v6;
	_ =	sdelay $0x1  }
0x33c: {  	v60 =	vld [tilespmem:s11+$0x0];
	(erf) = vpow2.f32 v59;
	_ =	sdelay $0x2  }
0x33d: {  	v3 =	vnsel vm14, $0x0, v3  }
0x33e: {  	v2 =	vadd.f32 v3, v2  }
0x33f: {  	v3 =	vnsel vm1, $0x0, v4;
	vm15 =	vgt.s32 v60, $0x1FFF  }
0x340: {  	v2 =	vadd.f32 v3, v2;
	v3 =	vadd.s32 $0x1000, v60  }
0x341: {  	v61 =	vnsel vm2, $0x0, v5  }
0x342: {  	v2 =	vadd.f32 v61, v2  }
0x343: {  	v62 =	vnsel vm15, $0x0, v6;
	v63 =	vpop (erf)  }
0x344: {  	v2 =	vadd.f32 v62, v2;
	[tilespmem:v60+s23+$0x0] =	vst.idx.add.f32.msk $0xffff, v63  }
0x345: {  	[tilespmem:v3+s23+$0x0] =	vst.idx.add.f32.msk vm15, v1  }
0x346: {  	s25 =	rddreg [dreg:$0x6];
	s26 =	simm.s32 $0x3;
	s6 =	simm.s32 $0x400;
	[tilespmem:$0x6000] =	vst v2  }
0x347: {  	[hbm4b:s25+s14] =	stream.strided.scatter [tilespmem:s23], [sflag:$0x3], $0x4000, s6, s14, $0x38;
	[tilespmem:$0x6080] =	vst v63  }
0x348: {  	_ =	swait.ge [sflag:s26], $0x4000  }
0x349: {  	[sflag:s26] =	ssyncset.done $0x0  }
0x34a: {  	s11 =	simm.s32 $0x6000;
	s28 =	rddreg [dreg:$0x7];
	[sflag:s26] =	ssyncadd.s32 $0xFFFFC000  }
0x34b: {  	[hbm4b:s28+s2] =	stream.linear.scatter [tilespmem:s11], [sflag:$0x3], $0x80, $0x38;
	[tilespmem:$0x6080] =	vst v63  }
0x34c: {  	_ =	swait.ge [sflag:s26], $0x80  }
0x34d: {  	s29 =	sld [smem:$0x7D8];
	_ =	sdelay $0x2  }
0x34e: {  	s30 =	rddreg [dreg:$0x8];
	s11 =	sadd.s32 $0x1, s29  }
0x34f: {  	p0 =	sne.s32 s11, s30  }
.Ltmp7:
0x350: {  	_ = 	snop;
	(pc) =	sbr.rel @p0 .LBB2_1-.Ltmp7, $3  }
0x351: {  	_ =	sdelay $0x1  }
0x352: {  	[sflag:s26] =	ssyncset.done $0x0  }
0x353: {  	[sflag:s26] =	ssyncadd.s32 $0xFFFFFF80  }
0x354: {  	_ =	sfence.sel $0x180000  }
0x355: {  	[bflag:$0x0] =	sbarrier.arrive $0xFFFF  }
0x356: {  	_ =	strace $0x90000047  }
0x357: {  	s0 =	stileid.u32;
	[bflag:$0x2] =	sbarrier.arrive $0xFFFF  }
0x358: {  	p0 =	sne.s32 s0, $0x0;
	s0 =	rddreg [dreg:$0x1]  }
0x359: {  	s0 =	sadd.s32 @!p0 $0x100000, s0  }
0x35a: {  	[sflag:s0] =	ssyncadd.tile.s32 @!p0 $0x1;
	_ =	shalt  }
.Lfunc_end2:
_tile_overlayer_lowered:
.L_overlay_start_2:
0x35b: {  	(tag) =	ssettag $0x2  }
0x35c: {  	s0 =	rddreg [dreg:$0x0];
	s2 =	stileid.u32  }
0x35d: {  	s1 =	rddreg [dreg:$0x1];
	p0 =	sne.s32 s2, $0x0  }
0x35e: {  	s3 =	rddreg [dreg:$0x2];
	[bflag:$0x3] =	sbarrier.arrive $0xFFFF;
	s2 =	simm.s32 @!p0 $0x1C03  }
0x35f: {  	[timem:s3], [sflag:s2] =	dma.local @!p0 [hbm:s0], s1  }
0x360: {  	s0 =	simm.s32 @!p0 $0x3  }
0x361: {  	_ =	swait.ge @!p0 [sflag:s0], s1  }
0x362: {  	s1 =	ssub.s32 @!p0 $0x0, s1;
	[sflag:s0] =	ssyncset.done @!p0 $0x0  }
0x363: {  	[sflag:s0] =	ssyncadd.s32 @!p0 s1  }
0x364: {  	[bflag:$0x3] =	sbarrier.arrive $0xFFFF  }
0x365: {  	_ =	shalt  }

</sc_bundles>
